<compile_context>
chip_gen: v7x
topology: tpu7x:2x2x1
jax: 0.10.2.dev20260603
libtpu: 0.0.44.dev20260713+nightly
codegen_flags: <defaults>
</compile_context>

<pallas_src>
import functools

import jax
import jax.numpy as jnp
from jax.experimental import pallas as pl
from jax.experimental.pallas import tpu as pltpu
from jax.experimental.pallas import tpu_sc as plsc

B = 4
CH = 64
NPTS = 8192
NS = 1024
KNN = 16
SBLK = 128


def _fps_body(x_ref, xt_ref, idx_ref, qt_ref):
    pos_lin = (jax.lax.broadcasted_iota(jnp.int32, (8, 1024), 0) * 1024
               + jax.lax.broadcasted_iota(jnp.int32, (8, 1024), 1))
    pos2d = (jax.lax.broadcasted_iota(jnp.int32, (8, 128), 0) * 128
             + jax.lax.broadcasted_iota(jnp.int32, (8, 128), 1))

    def step(t, carry):
        dist, far, inds = carry
        new_dist, new_far, new_inds = [], [], []
        for b in range(B):
            new_inds.append(jnp.where(pos2d == t, far[b], inds[b]))
            row = xt_ref[b, pl.ds(far[b], 1), :]
            qt_ref[b, pl.ds(t, 1), :] = row
            cent = jnp.transpose(row, (1, 0))
            parts = []
            for c0 in range(0, NPTS, 1024):
                diff = x_ref[b, :, c0:c0 + 1024] - cent
                parts.append(jnp.sum(diff * diff, axis=0, keepdims=True))
            d = jnp.concatenate(parts, axis=0)
            db = jnp.minimum(dist[b], d)
            new_dist.append(db)
            m = jnp.max(db)
            new_far.append(jnp.min(jnp.where(db == m, pos_lin, NPTS)))
        return tuple(new_dist), tuple(new_far), tuple(new_inds)

    dist0 = tuple(jnp.full((8, NPTS // 8), jnp.inf, dtype=jnp.float32)
                  for _ in range(B))
    init = (dist0, tuple(jnp.int32(0) for _ in range(B)),
            tuple(jnp.zeros((8, 128), jnp.int32) for _ in range(B)))
    _, _, inds = jax.lax.fori_loop(0, NS, step, init)
    for b in range(B):
        idx_ref[b] = inds[b]


def _fps_call(x, xt):
    return pl.pallas_call(
        _fps_body,
        in_specs=[
            pl.BlockSpec((B, CH, NPTS), lambda: (0, 0, 0)),
            pl.BlockSpec((B, NPTS, CH), lambda: (0, 0, 0)),
        ],
        out_specs=[
            pl.BlockSpec((B, 8, 128), lambda: (0, 0, 0)),
            pl.BlockSpec((B, NS, CH), lambda: (0, 0, 0)),
        ],
        out_shape=[
            jax.ShapeDtypeStruct((B, 8, 128), jnp.int32),
            jax.ShapeDtypeStruct((B, NS, CH), jnp.float32),
        ],
    )(x, xt)


def _knn_body(q_ref, x_ref, kidx_ref):
    xb = x_ref[0]
    qb = q_ref[0]
    p2 = jnp.sum(xb * xb, axis=0, keepdims=True)
    inner = jax.lax.dot_general(
        qb, xb, (((1,), (0,)), ((), ())),
        preferred_element_type=jnp.float32)
    dmat = p2 - 2.0 * inner
    lane_n = jax.lax.broadcasted_iota(jnp.int32, (SBLK, NPTS), 1)
    for j in range(KNN):
        m = jnp.min(dmat, axis=1, keepdims=True)
        am = jnp.min(jnp.where(dmat == m, lane_n, NPTS), axis=1,
                     keepdims=True)
        kidx_ref[0, :, pl.ds(j, 1)] = am
        dmat = jnp.where(lane_n == am, jnp.inf, dmat)


def _knn_call(qt, x):
    return pl.pallas_call(
        _knn_body,
        grid=(B, NS // SBLK),
        in_specs=[
            pl.BlockSpec((1, SBLK, CH), lambda b, s: (b, s, 0)),
            pl.BlockSpec((1, CH, NPTS), lambda b, s: (b, 0, 0)),
        ],
        out_specs=pl.BlockSpec((1, SBLK, KNN), lambda b, s: (b, s, 0)),
        out_shape=jax.ShapeDtypeStruct((B, NS, KNN), jnp.int32),
    )(qt, x)


NROWS = B * NS * KNN
_NW = 32
_RPW = NROWS // _NW
_GCHUNK = 1024


def _sc_gather_call(table, fidx):
    mesh = plsc.VectorSubcoreMesh(core_axis_name="c", subcore_axis_name="s")

    @functools.partial(
        pl.kernel, mesh=mesh,
        out_type=jax.ShapeDtypeStruct((NROWS, CH), jnp.float32),
        scratch_types=[
            pltpu.VMEM((_GCHUNK,), jnp.int32),
            pltpu.VMEM((_GCHUNK, CH), jnp.float32),
            pltpu.SemaphoreType.DMA,
        ],
        compiler_params=pltpu.CompilerParams(use_tc_tiling_on_sc=False),
    )
    def k(table_hbm, idx_hbm, out_hbm, idx_v, rows_v, sem):
        wid = jax.lax.axis_index("s") * 2 + jax.lax.axis_index("c")
        base = wid * _RPW
        for g in range(_RPW // _GCHUNK):
            off = base + g * _GCHUNK
            pltpu.sync_copy(idx_hbm.at[pl.ds(off, _GCHUNK)], idx_v)
            pltpu.async_copy(table_hbm.at[idx_v], rows_v, sem).wait()
            pltpu.sync_copy(rows_v, out_hbm.at[pl.ds(off, _GCHUNK)])

    return k(table, fidx)


def _ec_body(g_ref, qt_ref, w1_ref, b1_ref, w2_ref, b2_ref, out_ref):
    w1 = w1_ref[...]
    w1a = w1[:, :CH]
    w1b = w1[:, CH:]
    wd = w1a - w1b
    qt = qt_ref[0]
    hc = jax.lax.dot_general(
        qt, wd, (((1,), (1,)), ((), ())),
        preferred_element_type=jnp.float32) + b1_ref[...]
    g = g_ref[0, 0]
    hn = jax.lax.dot_general(
        g, w1b, (((1,), (1,)), ((), ())),
        preferred_element_type=jnp.float32)
    h1 = hn + jnp.concatenate([hc] * KNN, axis=0)
    h1 = jnp.where(h1 >= 0, h1, 0.2 * h1)
    h2 = jax.lax.dot_general(
        h1, w2_ref[...], (((1,), (1,)), ((), ())),
        preferred_element_type=jnp.float32) + b2_ref[...]
    h2 = jnp.where(h2 >= 0, h2, 0.2 * h2)
    mx = h2[0:SBLK]
    for j in range(1, KNN):
        mx = jnp.maximum(mx, h2[j * SBLK:(j + 1) * SBLK])
    out_ref[0] = mx


def _ec_call(g4, qt, W1, b1, W2, b2):
    return pl.pallas_call(
        _ec_body,
        grid=(B, NS // SBLK),
        in_specs=[
            pl.BlockSpec((1, 1, KNN * SBLK, CH), lambda b, s: (b, s, 0, 0)),
            pl.BlockSpec((1, SBLK, CH), lambda b, s: (b, s, 0)),
            pl.BlockSpec((CH, 2 * CH), lambda b, s: (0, 0)),
            pl.BlockSpec((1, CH), lambda b, s: (0, 0)),
            pl.BlockSpec((CH, CH), lambda b, s: (0, 0)),
            pl.BlockSpec((1, CH), lambda b, s: (0, 0)),
        ],
        out_specs=pl.BlockSpec((1, SBLK, CH), lambda b, s: (b, s, 0)),
        out_shape=jax.ShapeDtypeStruct((B, NS, CH), jnp.float32),
    )(g4, qt, W1, b1, W2, b2)


def kernel(x, W1, b1, W2, b2):
    xt = jnp.transpose(x, (0, 2, 1))
    idx8, qt = _fps_call(x, xt)
    idx = idx8.reshape(B, NS)
    kidx = _knn_call(qt, x)
    fidx = (kidx.reshape(B, NS // SBLK, SBLK, KNN).transpose(0, 1, 3, 2)
            + (jnp.arange(B, dtype=jnp.int32) * NPTS)[:, None, None, None]
            ).reshape(NROWS)
    g = _sc_gather_call(xt.reshape(B * NPTS, CH), fidx)
    g4 = g.reshape(B, NS // SBLK, KNN * SBLK, CH)
    out_t = _ec_call(g4, qt, W1, b1.reshape(1, CH), W2, b2.reshape(1, CH))
    x_processed = jnp.transpose(out_t, (0, 2, 1))
    return (x_processed, idx)

# --- scband reference (transcript-rebuilt; emitter-appended) ---
"""Pipeline reference for scband-downsample-19215683682639 (READ-ONLY COPY).

The authoritative reference and input builder live on the scoring server;
editing this copy changes nothing except your own understanding.
"""

import jax, jax.numpy as jnp
import numpy as np

N_SAMPLES = 1024
K = 16


def fps(x, n_samples):
    # farthest point sampling in feature space; x: [B, C, N]
    B, C, N = x.shape

    def step(state, _):
        dist, farthest = state
        centroid = jnp.take_along_axis(
            x, jnp.broadcast_to(farthest[:, None, None], (B, C, 1)), axis=2
        )  # [B, C, 1]
        d = jnp.sum((x - centroid) ** 2, axis=1)  # [B, N]
        dist = jnp.minimum(dist, d)
        new_far = jnp.argmax(dist, axis=1).astype(jnp.int32)
        return (dist, new_far), farthest

    init = (jnp.full((B, N), jnp.inf, dtype=x.dtype), jnp.zeros((B,), dtype=jnp.int32))
    _, idxs = jax.lax.scan(step, init, None, length=n_samples)
    idxs = jnp.transpose(idxs)  # [B, n_samples]
    x_down = jnp.take_along_axis(
        x, jnp.broadcast_to(idxs[:, None, :], (B, C, n_samples)), axis=2
    )
    return x_down, idxs


def knn_idx(q, p, k):
    # q: [B, C, S] queries, p: [B, C, N] points -> [B, S, k] neighbor indices
    inner = jnp.einsum('bcs,bcn->bsn', q, p)
    q2 = jnp.sum(q * q, axis=1)[:, :, None]
    p2 = jnp.sum(p * p, axis=1)[:, None, :]
    d = q2 + p2 - 2.0 * inner
    _, idx = jax.lax.top_k(-d, k)
    return idx


def edge_conv(q, p, W1, b1, W2, b2, k):
    # DGCNN-style EdgeConv: edge feature = [x_i, x_j - x_i], two 1x1 convs, max over k
    B, C, S = q.shape
    idx = knn_idx(q, p, k)  # [B, S, k]
    nbr = jax.vmap(lambda pb, ib: pb[:, ib])(p, idx)  # [B, C, S, k]
    center = q[:, :, :, None]
    feat = jnp.concatenate(
        [jnp.broadcast_to(center, (B, C, S, k)), nbr - center], axis=1
    )  # [B, 2C, S, k]
    h = jnp.einsum('oi,bisk->bosk', W1, feat) + b1[None, :, None, None]
    h = jax.nn.leaky_relu(h, 0.2)
    h = jnp.einsum('oi,bisk->bosk', W2, h) + b2[None, :, None, None]
    h = jax.nn.leaky_relu(h, 0.2)
    return jnp.max(h, axis=3)  # [B, C_out, S]


def setup_inputs(seed: int = 0):
    key = jax.random.key(seed)
    k1, k2, k3 = jax.random.split(key, 3)
    x = jax.random.normal(k1, (4, 64, 8192), dtype=jnp.float32)
    W1 = jax.random.normal(k2, (64, 128), dtype=jnp.float32) * (1.0 / np.sqrt(128.0))
    b1 = jnp.zeros((64,), dtype=jnp.float32)
    W2 = jax.random.normal(k3, (64, 64), dtype=jnp.float32) * (1.0 / np.sqrt(64.0))
    b2 = jnp.zeros((64,), dtype=jnp.float32)
    return {"x": x, "W1": W1, "b1": b1, "W2": W2, "b2": b2}


def reference(x, W1, b1, W2, b2):
    # points_select_basis == 'feature' branch
    x_down, idx = fps(x, N_SAMPLES)
    x_processed = edge_conv(x_down, x, W1, b1, W2, b2, K)
    return (x_processed, idx)

if __name__ == "__main__":
    import jax
    _d = setup_inputs()
    print(jax.jit(kernel)(*tuple(_d.values())))

</pallas_src>

<mosaic_0001>
#map = affine_map<(d0, d1) -> (0, 0)>
#map1 = affine_map<(d0, d1) -> (0)>
module attributes {stable_mosaic.version = 14 : i64} {
  func.func @k(%arg0: i32, %arg1: i32, %arg2: memref<32768x64xf32, #tpu.memory_space<hbm>>, %arg3: memref<65536xi32, #tpu.memory_space<hbm>>, %arg4: memref<65536x64xf32, #tpu.memory_space<hbm>>, %arg5: memref<1024xi32, #tpu.memory_space<vmem>>, %arg6: memref<1024x64xf32, #tpu.memory_space<vmem>>, %arg7: memref<!tpu.dma_semaphore, #tpu.memory_space<semaphore_mem>>) attributes {dimension_semantics = [#tpu.dimension_semantics<core_parallel>, #tpu.dimension_semantics<subcore_parallel>], iteration_bounds = array<i64: 2, 16>, scalar_prefetch = 0 : i64, scratch_operands = 3 : i64, tpu.core_type = #tpu.core_type<sc_vector_subcore>, window_params = [{transform_indices = #map}, {transform_indices = #map1}, {transform_indices = #map}]} {
    %mul3A = arith.constant 2 : i32
    %mul3A_0 = arith.muli %arg1, %mul3A : i32
    %add3A = arith.addi %mul3A_0, %arg0 : i32
    %mul3A_1 = arith.constant 2048 : i32
    %mul3A_2 = arith.muli %add3A, %mul3A_1 : i32
    %add3A_3 = arith.constant 0 : i32
    %add3A_4 = arith.addi %mul3A_2, %add3A_3 : i32
    "tpu.region"() ({
      %run_scoped3A = tpu.sem_alloc : memref<!tpu.dma_semaphore, #tpu.memory_space<semaphore_mem>>
      %dma_start3A_17 = tpu.memref_slice %arg3[%add3A_4] : memref<65536xi32, #tpu.memory_space<hbm>> -> memref<1024xi32, #tpu.memory_space<hbm>>
      %dma_start3A_18 = tpu.memref_slice %arg3[%add3A_4] : memref<65536xi32, #tpu.memory_space<hbm>> -> memref<1024xi32, #tpu.memory_space<hbm>>
      tpu.enqueue_dma source(%dma_start3A_18 : memref<1024xi32, #tpu.memory_space<hbm>>) target(%arg5 : memref<1024xi32, #tpu.memory_space<vmem>>) target_semaphore(%run_scoped3A : memref<!tpu.dma_semaphore, #tpu.memory_space<semaphore_mem>>)
      %dma_wait3A_19 = tpu.memref_slice %arg3[%add3A_4] : memref<65536xi32, #tpu.memory_space<hbm>> -> memref<1024xi32, #tpu.memory_space<hbm>>
      %dma_wait3A_20 = tpu.memref_slice %arg3[%add3A_4] : memref<65536xi32, #tpu.memory_space<hbm>> -> memref<1024xi32, #tpu.memory_space<hbm>>
      tpu.wait_dma2 semaphore(%run_scoped3A : memref<!tpu.dma_semaphore, #tpu.memory_space<semaphore_mem>>) src(%dma_wait3A_20 : memref<1024xi32, #tpu.memory_space<hbm>>) dst(%arg5 : memref<1024xi32, #tpu.memory_space<vmem>>)
      tpu.yield
    }) : () -> ()
    %dma_start3A = arith.constant 0 : i32
    %dma_start3A_5 = arith.constant 0 : i32
    %dma_start3A_6 = tpu.memref_slice %arg2[%dma_start3A, %dma_start3A_5] : memref<32768x64xf32, #tpu.memory_space<hbm>> -> memref<32768x64xf32, #tpu.memory_space<hbm>>
    tpu.enqueue_indirect_dma source(%dma_start3A_6 : memref<32768x64xf32, #tpu.memory_space<hbm>>) target(%arg6 : memref<1024x64xf32, #tpu.memory_space<vmem>>) offsets(%arg5 : memref<1024xi32, #tpu.memory_space<vmem>>) semaphore(%arg7 : memref<!tpu.dma_semaphore, #tpu.memory_space<semaphore_mem>>)
    %dma_wait3A = arith.constant 0 : i32
    %dma_wait3A_7 = arith.constant 0 : i32
    %dma_wait3A_8 = tpu.memref_slice %arg2[%dma_wait3A, %dma_wait3A_7] : memref<32768x64xf32, #tpu.memory_space<hbm>> -> memref<32768x64xf32, #tpu.memory_space<hbm>>
    tpu.wait_indirect_dma semaphore(%arg7 : memref<!tpu.dma_semaphore, #tpu.memory_space<semaphore_mem>>) src(%dma_wait3A_8 : memref<32768x64xf32, #tpu.memory_space<hbm>>) dst(%arg6 : memref<1024x64xf32, #tpu.memory_space<vmem>>)
    "tpu.region"() ({
      %run_scoped3A = tpu.sem_alloc : memref<!tpu.dma_semaphore, #tpu.memory_space<semaphore_mem>>
      %dma_start3A_17 = arith.constant 0 : i32
      %dma_start3A_18 = tpu.memref_slice %arg4[%add3A_4, %dma_start3A_17] : memref<65536x64xf32, #tpu.memory_space<hbm>> -> memref<1024x64xf32, #tpu.memory_space<hbm>>
      %dma_start3A_19 = arith.constant 0 : i32
      %dma_start3A_20 = tpu.memref_slice %arg4[%add3A_4, %dma_start3A_19] : memref<65536x64xf32, #tpu.memory_space<hbm>> -> memref<1024x64xf32, #tpu.memory_space<hbm>>
      tpu.enqueue_dma source(%arg6 : memref<1024x64xf32, #tpu.memory_space<vmem>>) target(%dma_start3A_20 : memref<1024x64xf32, #tpu.memory_space<hbm>>) target_semaphore(%run_scoped3A : memref<!tpu.dma_semaphore, #tpu.memory_space<semaphore_mem>>)
      %dma_wait3A_21 = arith.constant 0 : i32
      %dma_wait3A_22 = tpu.memref_slice %arg4[%add3A_4, %dma_wait3A_21] : memref<65536x64xf32, #tpu.memory_space<hbm>> -> memref<1024x64xf32, #tpu.memory_space<hbm>>
      %dma_wait3A_23 = arith.constant 0 : i32
      %dma_wait3A_24 = tpu.memref_slice %arg4[%add3A_4, %dma_wait3A_23] : memref<65536x64xf32, #tpu.memory_space<hbm>> -> memref<1024x64xf32, #tpu.memory_space<hbm>>
      tpu.wait_dma2 semaphore(%run_scoped3A : memref<!tpu.dma_semaphore, #tpu.memory_space<semaphore_mem>>) src(%arg6 : memref<1024x64xf32, #tpu.memory_space<vmem>>) dst(%dma_wait3A_24 : memref<1024x64xf32, #tpu.memory_space<hbm>>)
      tpu.yield
    }) : () -> ()
    %add3A_9 = arith.constant 1024 : i32
    %add3A_10 = arith.addi %mul3A_2, %add3A_9 : i32
    "tpu.region"() ({
      %run_scoped3A = tpu.sem_alloc : memref<!tpu.dma_semaphore, #tpu.memory_space<semaphore_mem>>
      %dma_start3A_17 = tpu.memref_slice %arg3[%add3A_10] : memref<65536xi32, #tpu.memory_space<hbm>> -> memref<1024xi32, #tpu.memory_space<hbm>>
      %dma_start3A_18 = tpu.memref_slice %arg3[%add3A_10] : memref<65536xi32, #tpu.memory_space<hbm>> -> memref<1024xi32, #tpu.memory_space<hbm>>
      tpu.enqueue_dma source(%dma_start3A_18 : memref<1024xi32, #tpu.memory_space<hbm>>) target(%arg5 : memref<1024xi32, #tpu.memory_space<vmem>>) target_semaphore(%run_scoped3A : memref<!tpu.dma_semaphore, #tpu.memory_space<semaphore_mem>>)
      %dma_wait3A_19 = tpu.memref_slice %arg3[%add3A_10] : memref<65536xi32, #tpu.memory_space<hbm>> -> memref<1024xi32, #tpu.memory_space<hbm>>
      %dma_wait3A_20 = tpu.memref_slice %arg3[%add3A_10] : memref<65536xi32, #tpu.memory_space<hbm>> -> memref<1024xi32, #tpu.memory_space<hbm>>
      tpu.wait_dma2 semaphore(%run_scoped3A : memref<!tpu.dma_semaphore, #tpu.memory_space<semaphore_mem>>) src(%dma_wait3A_20 : memref<1024xi32, #tpu.memory_space<hbm>>) dst(%arg5 : memref<1024xi32, #tpu.memory_space<vmem>>)
      tpu.yield
    }) : () -> ()
    %dma_start3A_11 = arith.constant 0 : i32
    %dma_start3A_12 = arith.constant 0 : i32
    %dma_start3A_13 = tpu.memref_slice %arg2[%dma_start3A_11, %dma_start3A_12] : memref<32768x64xf32, #tpu.memory_space<hbm>> -> memref<32768x64xf32, #tpu.memory_space<hbm>>
    tpu.enqueue_indirect_dma source(%dma_start3A_13 : memref<32768x64xf32, #tpu.memory_space<hbm>>) target(%arg6 : memref<1024x64xf32, #tpu.memory_space<vmem>>) offsets(%arg5 : memref<1024xi32, #tpu.memory_space<vmem>>) semaphore(%arg7 : memref<!tpu.dma_semaphore, #tpu.memory_space<semaphore_mem>>)
    %dma_wait3A_14 = arith.constant 0 : i32
    %dma_wait3A_15 = arith.constant 0 : i32
    %dma_wait3A_16 = tpu.memref_slice %arg2[%dma_wait3A_14, %dma_wait3A_15] : memref<32768x64xf32, #tpu.memory_space<hbm>> -> memref<32768x64xf32, #tpu.memory_space<hbm>>
    tpu.wait_indirect_dma semaphore(%arg7 : memref<!tpu.dma_semaphore, #tpu.memory_space<semaphore_mem>>) src(%dma_wait3A_16 : memref<32768x64xf32, #tpu.memory_space<hbm>>) dst(%arg6 : memref<1024x64xf32, #tpu.memory_space<vmem>>)
    "tpu.region"() ({
      %run_scoped3A = tpu.sem_alloc : memref<!tpu.dma_semaphore, #tpu.memory_space<semaphore_mem>>
      %dma_start3A_17 = arith.constant 0 : i32
      %dma_start3A_18 = tpu.memref_slice %arg4[%add3A_10, %dma_start3A_17] : memref<65536x64xf32, #tpu.memory_space<hbm>> -> memref<1024x64xf32, #tpu.memory_space<hbm>>
      %dma_start3A_19 = arith.constant 0 : i32
      %dma_start3A_20 = tpu.memref_slice %arg4[%add3A_10, %dma_start3A_19] : memref<65536x64xf32, #tpu.memory_space<hbm>> -> memref<1024x64xf32, #tpu.memory_space<hbm>>
      tpu.enqueue_dma source(%arg6 : memref<1024x64xf32, #tpu.memory_space<vmem>>) target(%dma_start3A_20 : memref<1024x64xf32, #tpu.memory_space<hbm>>) target_semaphore(%run_scoped3A : memref<!tpu.dma_semaphore, #tpu.memory_space<semaphore_mem>>)
      %dma_wait3A_21 = arith.constant 0 : i32
      %dma_wait3A_22 = tpu.memref_slice %arg4[%add3A_10, %dma_wait3A_21] : memref<65536x64xf32, #tpu.memory_space<hbm>> -> memref<1024x64xf32, #tpu.memory_space<hbm>>
      %dma_wait3A_23 = arith.constant 0 : i32
      %dma_wait3A_24 = tpu.memref_slice %arg4[%add3A_10, %dma_wait3A_23] : memref<65536x64xf32, #tpu.memory_space<hbm>> -> memref<1024x64xf32, #tpu.memory_space<hbm>>
      tpu.wait_dma2 semaphore(%run_scoped3A : memref<!tpu.dma_semaphore, #tpu.memory_space<semaphore_mem>>) src(%arg6 : memref<1024x64xf32, #tpu.memory_space<vmem>>) dst(%dma_wait3A_24 : memref<1024x64xf32, #tpu.memory_space<hbm>>)
      tpu.yield
    }) : () -> ()
    return
  }
}

module attributes {stable_mosaic.version = 14 : i64} {
  func.func @_knn_body(%arg0: i32, %arg1: i32, %arg2: memref<1x128x64xf32, #tpu.memory_space<vmem>>, %arg3: memref<1x64x8192xf32, #tpu.memory_space<vmem>>, %arg4: memref<1x128x16xi32, #tpu.memory_space<vmem>>) attributes {dimension_semantics = [#tpu.dimension_semantics<arbitrary>, #tpu.dimension_semantics<arbitrary>], iteration_bounds = array<i64: 4, 8>, scalar_prefetch = 0 : i64, scratch_operands = 0 : i64, tpu.core_type = #tpu.core_type<tc>, window_params = [{transform_indices = @transform_0, window_bounds = array<i64: 1, 128, 64>}, {transform_indices = @transform_1, window_bounds = array<i64: 1, 64, 8192>}, {transform_indices = @transform_2, window_bounds = array<i64: 1, 128, 16>}]} {
    %get3A = arith.constant 0 : index
    %get3A_0 = arith.constant 0 : index
    %get3A_1 = arith.constant 0 : index
    %get3A_2 = vector.load %arg3[%get3A, %get3A_0, %get3A_1] : memref<1x64x8192xf32, #tpu.memory_space<vmem>>, vector<1x64x8192xf32>
    %get3A_3 = vector.shape_cast %get3A_2 : vector<1x64x8192xf32> to vector<64x8192xf32>
    %get3A_4 = arith.constant 0 : index
    %get3A_5 = arith.constant 0 : index
    %get3A_6 = arith.constant 0 : index
    %get3A_7 = vector.load %arg2[%get3A_4, %get3A_5, %get3A_6] : memref<1x128x64xf32, #tpu.memory_space<vmem>>, vector<1x128x64xf32>
    %get3A_8 = vector.shape_cast %get3A_7 : vector<1x128x64xf32> to vector<128x64xf32>
    %mul3A = arith.mulf %get3A_3, %get3A_3 : vector<64x8192xf32>
    %reduce_sum3A = arith.constant dense<0.000000e+00> : vector<8192xf32>
    %reduce_sum3A_9 = vector.multi_reduction <add>, %mul3A, %reduce_sum3A [0] : vector<64x8192xf32> to vector<8192xf32>
    %broadcast_in_dim3A = vector.shape_cast %reduce_sum3A_9 : vector<8192xf32> to vector<1x8192xf32>
    %dot_general3A = arith.constant dense<0.000000e+00> : vector<128x8192xf32>
    %dot_general3A_10 = tpu.matmul %get3A_8, %get3A_3, %dot_general3A {dimension_numbers = #tpu.dot_dimension_numbers<[1], [0], [0], [1], [0, 0, 1, 1], [], []>, transpose_lhs_hint = false} : vector<128x64xf32>, vector<64x8192xf32>, vector<128x8192xf32> -> vector<128x8192xf32>
    %mul3A_11 = arith.constant 2.000000e+00 : f32
    %mul3A_12 = vector.broadcast %mul3A_11 : f32 to vector<128x8192xf32>
    %mul3A_13 = arith.mulf %mul3A_12, %dot_general3A_10 : vector<128x8192xf32>
    %sub3A = vector.broadcast %broadcast_in_dim3A : vector<1x8192xf32> to vector<128x8192xf32>
    %sub3A_14 = arith.subf %sub3A, %mul3A_13 : vector<128x8192xf32>
    %iota3A = tpu.iota {dimensions = array<i32: 1>} : vector<128x8192xi32>
    %reduce_min3A = arith.constant dense<0x7F800000> : vector<128xf32>
    %reduce_min3A_15 = vector.multi_reduction <minimumf>, %sub3A_14, %reduce_min3A [1] : vector<128x8192xf32> to vector<128xf32>
    %broadcast_in_dim3A_16 = vector.shape_cast %reduce_min3A_15 : vector<128xf32> to vector<128x1xf32>
    %eq3A = vector.broadcast %broadcast_in_dim3A_16 : vector<128x1xf32> to vector<128x8192xf32>
    %eq3A_17 = arith.cmpf oeq, %sub3A_14, %eq3A : vector<128x8192xf32>
    %jit3A = arith.constant 8192 : i32
    %broadcast_in_dim3A_18 = vector.broadcast %jit3A : i32 to vector<128x8192xi32>
    %select_n3A = arith.select %eq3A_17, %iota3A, %broadcast_in_dim3A_18 : vector<128x8192xi1>, vector<128x8192xi32>
    %reduce_min3A_19 = arith.constant dense<2147483647> : vector<128xi32>
    %reduce_min3A_20 = vector.multi_reduction <minsi>, %select_n3A, %reduce_min3A_19 [1] : vector<128x8192xi32> to vector<128xi32>
    %broadcast_in_dim3A_21 = vector.shape_cast %reduce_min3A_20 : vector<128xi32> to vector<128x1xi32>
    %swap3A = arith.constant 0 : index
    %swap3A_22 = arith.constant 0 : index
    %swap3A_23 = arith.constant 0 : index
    %swap3A_24 = vector.load %arg4[%swap3A, %swap3A_22, %swap3A_23] : memref<1x128x16xi32, #tpu.memory_space<vmem>>, vector<1x128x1xi32>
    %swap3A_25 = vector.shape_cast %swap3A_24 : vector<1x128x1xi32> to vector<128x1xi32>
    %swap3A_26 = vector.shape_cast %broadcast_in_dim3A_21 : vector<128x1xi32> to vector<1x128x1xi32>
    tpu.vector_store %arg4[%swap3A, %swap3A_22, %swap3A_23], %swap3A_26 {strides = array<i32>} : memref<1x128x16xi32, #tpu.memory_space<vmem>>, vector<1x128x1xi32>,
    %eq3A_27 = vector.broadcast %broadcast_in_dim3A_21 : vector<128x1xi32> to vector<128x8192xi32>
    %eq3A_28 = arith.cmpi eq, %iota3A, %eq3A_27 : vector<128x8192xi32>
    %jit3A_29 = arith.constant 0x7F800000 : f32
    %broadcast_in_dim3A_30 = vector.broadcast %jit3A_29 : f32 to vector<128x8192xf32>
    %select_n3A_31 = arith.select %eq3A_28, %broadcast_in_dim3A_30, %sub3A_14 : vector<128x8192xi1>, vector<128x8192xf32>
    %reduce_min3A_32 = arith.constant dense<0x7F800000> : vector<128xf32>
    %reduce_min3A_33 = vector.multi_reduction <minimumf>, %select_n3A_31, %reduce_min3A_32 [1] : vector<128x8192xf32> to vector<128xf32>
    %broadcast_in_dim3A_34 = vector.shape_cast %reduce_min3A_33 : vector<128xf32> to vector<128x1xf32>
    %eq3A_35 = vector.broadcast %broadcast_in_dim3A_34 : vector<128x1xf32> to vector<128x8192xf32>
    %eq3A_36 = arith.cmpf oeq, %select_n3A_31, %eq3A_35 : vector<128x8192xf32>
    %jit3A_37 = arith.constant 8192 : i32
    %broadcast_in_dim3A_38 = vector.broadcast %jit3A_37 : i32 to vector<128x8192xi32>
    %select_n3A_39 = arith.select %eq3A_36, %iota3A, %broadcast_in_dim3A_38 : vector<128x8192xi1>, vector<128x8192xi32>
    %reduce_min3A_40 = arith.constant dense<2147483647> : vector<128xi32>
    %reduce_min3A_41 = vector.multi_reduction <minsi>, %select_n3A_39, %reduce_min3A_40 [1] : vector<128x8192xi32> to vector<128xi32>
    %broadcast_in_dim3A_42 = vector.shape_cast %reduce_min3A_41 : vector<128xi32> to vector<128x1xi32>
    %swap3A_43 = arith.constant 0 : index
    %swap3A_44 = arith.constant 0 : index
    %swap3A_45 = arith.constant 1 : index
    %swap3A_46 = vector.load %arg4[%swap3A_43, %swap3A_44, %swap3A_45] : memref<1x128x16xi32, #tpu.memory_space<vmem>>, vector<1x128x1xi32>
    %swap3A_47 = vector.shape_cast %swap3A_46 : vector<1x128x1xi32> to vector<128x1xi32>
    %swap3A_48 = vector.shape_cast %broadcast_in_dim3A_42 : vector<128x1xi32> to vector<1x128x1xi32>
    tpu.vector_store %arg4[%swap3A_43, %swap3A_44, %swap3A_45], %swap3A_48 {strides = array<i32>} : memref<1x128x16xi32, #tpu.memory_space<vmem>>, vector<1x128x1xi32>,
    %eq3A_49 = vector.broadcast %broadcast_in_dim3A_42 : vector<128x1xi32> to vector<128x8192xi32>
    %eq3A_50 = arith.cmpi eq, %iota3A, %eq3A_49 : vector<128x8192xi32>
    %jit3A_51 = arith.constant 0x7F800000 : f32
    %broadcast_in_dim3A_52 = vector.broadcast %jit3A_51 : f32 to vector<128x8192xf32>
    %select_n3A_53 = arith.select %eq3A_50, %broadcast_in_dim3A_52, %select_n3A_31 : vector<128x8192xi1>, vector<128x8192xf32>
    %reduce_min3A_54 = arith.constant dense<0x7F800000> : vector<128xf32>
    %reduce_min3A_55 = vector.multi_reduction <minimumf>, %select_n3A_53, %reduce_min3A_54 [1] : vector<128x8192xf32> to vector<128xf32>
    %broadcast_in_dim3A_56 = vector.shape_cast %reduce_min3A_55 : vector<128xf32> to vector<128x1xf32>
    %eq3A_57 = vector.broadcast %broadcast_in_dim3A_56 : vector<128x1xf32> to vector<128x8192xf32>
    %eq3A_58 = arith.cmpf oeq, %select_n3A_53, %eq3A_57 : vector<128x8192xf32>
    %jit3A_59 = arith.constant 8192 : i32
    %broadcast_in_dim3A_60 = vector.broadcast %jit3A_59 : i32 to vector<128x8192xi32>
    %select_n3A_61 = arith.select %eq3A_58, %iota3A, %broadcast_in_dim3A_60 : vector<128x8192xi1>, vector<128x8192xi32>
    %reduce_min3A_62 = arith.constant dense<2147483647> : vector<128xi32>
    %reduce_min3A_63 = vector.multi_reduction <minsi>, %select_n3A_61, %reduce_min3A_62 [1] : vector<128x8192xi32> to vector<128xi32>
    %broadcast_in_dim3A_64 = vector.shape_cast %reduce_min3A_63 : vector<128xi32> to vector<128x1xi32>
    %swap3A_65 = arith.constant 0 : index
    %swap3A_66 = arith.constant 0 : index
    %swap3A_67 = arith.constant 2 : index
    %swap3A_68 = vector.load %arg4[%swap3A_65, %swap3A_66, %swap3A_67] : memref<1x128x16xi32, #tpu.memory_space<vmem>>, vector<1x128x1xi32>
    %swap3A_69 = vector.shape_cast %swap3A_68 : vector<1x128x1xi32> to vector<128x1xi32>
    %swap3A_70 = vector.shape_cast %broadcast_in_dim3A_64 : vector<128x1xi32> to vector<1x128x1xi32>
    tpu.vector_store %arg4[%swap3A_65, %swap3A_66, %swap3A_67], %swap3A_70 {strides = array<i32>} : memref<1x128x16xi32, #tpu.memory_space<vmem>>, vector<1x128x1xi32>,
    %eq3A_71 = vector.broadcast %broadcast_in_dim3A_64 : vector<128x1xi32> to vector<128x8192xi32>
    %eq3A_72 = arith.cmpi eq, %iota3A, %eq3A_71 : vector<128x8192xi32>
    %jit3A_73 = arith.constant 0x7F800000 : f32
    %broadcast_in_dim3A_74 = vector.broadcast %jit3A_73 : f32 to vector<128x8192xf32>
    %select_n3A_75 = arith.select %eq3A_72, %broadcast_in_dim3A_74, %select_n3A_53 : vector<128x8192xi1>, vector<128x8192xf32>
    %reduce_min3A_76 = arith.constant dense<0x7F800000> : vector<128xf32>
    %reduce_min3A_77 = vector.multi_reduction <minimumf>, %select_n3A_75, %reduce_min3A_76 [1] : vector<128x8192xf32> to vector<128xf32>
    %broadcast_in_dim3A_78 = vector.shape_cast %reduce_min3A_77 : vector<128xf32> to vector<128x1xf32>
    %eq3A_79 = vector.broadcast %broadcast_in_dim3A_78 : vector<128x1xf32> to vector<128x8192xf32>
    %eq3A_80 = arith.cmpf oeq, %select_n3A_75, %eq3A_79 : vector<128x8192xf32>
    %jit3A_81 = arith.constant 8192 : i32
    %broadcast_in_dim3A_82 = vector.broadcast %jit3A_81 : i32 to vector<128x8192xi32>
    %select_n3A_83 = arith.select %eq3A_80, %iota3A, %broadcast_in_dim3A_82 : vector<128x8192xi1>, vector<128x8192xi32>
    %reduce_min3A_84 = arith.constant dense<2147483647> : vector<128xi32>
    %reduce_min3A_85 = vector.multi_reduction <minsi>, %select_n3A_83, %reduce_min3A_84 [1] : vector<128x8192xi32> to vector<128xi32>
    %broadcast_in_dim3A_86 = vector.shape_cast %reduce_min3A_85 : vector<128xi32> to vector<128x1xi32>
    %swap3A_87 = arith.constant 0 : index
    %swap3A_88 = arith.constant 0 : index
    %swap3A_89 = arith.constant 3 : index
    %swap3A_90 = vector.load %arg4[%swap3A_87, %swap3A_88, %swap3A_89] : memref<1x128x16xi32, #tpu.memory_space<vmem>>, vector<1x128x1xi32>
    %swap3A_91 = vector.shape_cast %swap3A_90 : vector<1x128x1xi32> to vector<128x1xi32>
    %swap3A_92 = vector.shape_cast %broadcast_in_dim3A_86 : vector<128x1xi32> to vector<1x128x1xi32>
    tpu.vector_store %arg4[%swap3A_87, %swap3A_88, %swap3A_89], %swap3A_92 {strides = array<i32>} : memref<1x128x16xi32, #tpu.memory_space<vmem>>, vector<1x128x1xi32>,
    %eq3A_93 = vector.broadcast %broadcast_in_dim3A_86 : vector<128x1xi32> to vector<128x8192xi32>
    %eq3A_94 = arith.cmpi eq, %iota3A, %eq3A_93 : vector<128x8192xi32>
    %jit3A_95 = arith.constant 0x7F800000 : f32
    %broadcast_in_dim3A_96 = vector.broadcast %jit3A_95 : f32 to vector<128x8192xf32>
    %select_n3A_97 = arith.select %eq3A_94, %broadcast_in_dim3A_96, %select_n3A_75 : vector<128x8192xi1>, vector<128x8192xf32>
    %reduce_min3A_98 = arith.constant dense<0x7F800000> : vector<128xf32>
    %reduce_min3A_99 = vector.multi_reduction <minimumf>, %select_n3A_97, %reduce_min3A_98 [1] : vector<128x8192xf32> to vector<128xf32>
    %broadcast_in_dim3A_100 = vector.shape_cast %reduce_min3A_99 : vector<128xf32> to vector<128x1xf32>
    %eq3A_101 = vector.broadcast %broadcast_in_dim3A_100 : vector<128x1xf32> to vector<128x8192xf32>
    %eq3A_102 = arith.cmpf oeq, %select_n3A_97, %eq3A_101 : vector<128x8192xf32>
    %jit3A_103 = arith.constant 8192 : i32
    %broadcast_in_dim3A_104 = vector.broadcast %jit3A_103 : i32 to vector<128x8192xi32>
    %select_n3A_105 = arith.select %eq3A_102, %iota3A, %broadcast_in_dim3A_104 : vector<128x8192xi1>, vector<128x8192xi32>
    %reduce_min3A_106 = arith.constant dense<2147483647> : vector<128xi32>
    %reduce_min3A_107 = vector.multi_reduction <minsi>, %select_n3A_105, %reduce_min3A_106 [1] : vector<128x8192xi32> to vector<128xi32>
    %broadcast_in_dim3A_108 = vector.shape_cast %reduce_min3A_107 : vector<128xi32> to vector<128x1xi32>
    %swap3A_109 = arith.constant 0 : index
    %swap3A_110 = arith.constant 0 : index
    %swap3A_111 = arith.constant 4 : index
    %swap3A_112 = vector.load %arg4[%swap3A_109, %swap3A_110, %swap3A_111] : memref<1x128x16xi32, #tpu.memory_space<vmem>>, vector<1x128x1xi32>
    %swap3A_113 = vector.shape_cast %swap3A_112 : vector<1x128x1xi32> to vector<128x1xi32>
    %swap3A_114 = vector.shape_cast %broadcast_in_dim3A_108 : vector<128x1xi32> to vector<1x128x1xi32>
    tpu.vector_store %arg4[%swap3A_109, %swap3A_110, %swap3A_111], %swap3A_114 {strides = array<i32>} : memref<1x128x16xi32, #tpu.memory_space<vmem>>, vector<1x128x1xi32>,
    %eq3A_115 = vector.broadcast %broadcast_in_dim3A_108 : vector<128x1xi32> to vector<128x8192xi32>
    %eq3A_116 = arith.cmpi eq, %iota3A, %eq3A_115 : vector<128x8192xi32>
    %jit3A_117 = arith.constant 0x7F800000 : f32
    %broadcast_in_dim3A_118 = vector.broadcast %jit3A_117 : f32 to vector<128x8192xf32>
    %select_n3A_119 = arith.select %eq3A_116, %broadcast_in_dim3A_118, %select_n3A_97 : vector<128x8192xi1>, vector<128x8192xf32>
    %reduce_min3A_120 = arith.constant dense<0x7F800000> : vector<128xf32>
    %reduce_min3A_121 = vector.multi_reduction <minimumf>, %select_n3A_119, %reduce_min3A_120 [1] : vector<128x8192xf32> to vector<128xf32>
    %broadcast_in_dim3A_122 = vector.shape_cast %reduce_min3A_121 : vector<128xf32> to vector<128x1xf32>
    %eq3A_123 = vector.broadcast %broadcast_in_dim3A_122 : vector<128x1xf32> to vector<128x8192xf32>
    %eq3A_124 = arith.cmpf oeq, %select_n3A_119, %eq3A_123 : vector<128x8192xf32>
    %jit3A_125 = arith.constant 8192 : i32
    %broadcast_in_dim3A_126 = vector.broadcast %jit3A_125 : i32 to vector<128x8192xi32>
    %select_n3A_127 = arith.select %eq3A_124, %iota3A, %broadcast_in_dim3A_126 : vector<128x8192xi1>, vector<128x8192xi32>
    %reduce_min3A_128 = arith.constant dense<2147483647> : vector<128xi32>
    %reduce_min3A_129 = vector.multi_reduction <minsi>, %select_n3A_127, %reduce_min3A_128 [1] : vector<128x8192xi32> to vector<128xi32>
    %broadcast_in_dim3A_130 = vector.shape_cast %reduce_min3A_129 : vector<128xi32> to vector<128x1xi32>
    %swap3A_131 = arith.constant 0 : index
    %swap3A_132 = arith.constant 0 : index
    %swap3A_133 = arith.constant 5 : index
    %swap3A_134 = vector.load %arg4[%swap3A_131, %swap3A_132, %swap3A_133] : memref<1x128x16xi32, #tpu.memory_space<vmem>>, vector<1x128x1xi32>
    %swap3A_135 = vector.shape_cast %swap3A_134 : vector<1x128x1xi32> to vector<128x1xi32>
    %swap3A_136 = vector.shape_cast %broadcast_in_dim3A_130 : vector<128x1xi32> to vector<1x128x1xi32>
    tpu.vector_store %arg4[%swap3A_131, %swap3A_132, %swap3A_133], %swap3A_136 {strides = array<i32>} : memref<1x128x16xi32, #tpu.memory_space<vmem>>, vector<1x128x1xi32>,
    %eq3A_137 = vector.broadcast %broadcast_in_dim3A_130 : vector<128x1xi32> to vector<128x8192xi32>
    %eq3A_138 = arith.cmpi eq, %iota3A, %eq3A_137 : vector<128x8192xi32>
    %jit3A_139 = arith.constant 0x7F800000 : f32
    %broadcast_in_dim3A_140 = vector.broadcast %jit3A_139 : f32 to vector<128x8192xf32>
    %select_n3A_141 = arith.select %eq3A_138, %broadcast_in_dim3A_140, %select_n3A_119 : vector<128x8192xi1>, vector<128x8192xf32>
    %reduce_min3A_142 = arith.constant dense<0x7F800000> : vector<128xf32>
    %reduce_min3A_143 = vector.multi_reduction <minimumf>, %select_n3A_141, %reduce_min3A_142 [1] : vector<128x8192xf32> to vector<128xf32>
    %broadcast_in_dim3A_144 = vector.shape_cast %reduce_min3A_143 : vector<128xf32> to vector<128x1xf32>
    %eq3A_145 = vector.broadcast %broadcast_in_dim3A_144 : vector<128x1xf32> to vector<128x8192xf32>
    %eq3A_146 = arith.cmpf oeq, %select_n3A_141, %eq3A_145 : vector<128x8192xf32>
    %jit3A_147 = arith.constant 8192 : i32
    %broadcast_in_dim3A_148 = vector.broadcast %jit3A_147 : i32 to vector<128x8192xi32>
    %select_n3A_149 = arith.select %eq3A_146, %iota3A, %broadcast_in_dim3A_148 : vector<128x8192xi1>, vector<128x8192xi32>
    %reduce_min3A_150 = arith.constant dense<2147483647> : vector<128xi32>
    %reduce_min3A_151 = vector.multi_reduction <minsi>, %select_n3A_149, %reduce_min3A_150 [1] : vector<128x8192xi32> to vector<128xi32>
    %broadcast_in_dim3A_152 = vector.shape_cast %reduce_min3A_151 : vector<128xi32> to vector<128x1xi32>
    %swap3A_153 = arith.constant 0 : index
    %swap3A_154 = arith.constant 0 : index
    %swap3A_155 = arith.constant 6 : index
    %swap3A_156 = vector.load %arg4[%swap3A_153, %swap3A_154, %swap3A_155] : memref<1x128x16xi32, #tpu.memory_space<vmem>>, vector<1x128x1xi32>
    %swap3A_157 = vector.shape_cast %swap3A_156 : vector<1x128x1xi32> to vector<128x1xi32>
    %swap3A_158 = vector.shape_cast %broadcast_in_dim3A_152 : vector<128x1xi32> to vector<1x128x1xi32>
    tpu.vector_store %arg4[%swap3A_153, %swap3A_154, %swap3A_155], %swap3A_158 {strides = array<i32>} : memref<1x128x16xi32, #tpu.memory_space<vmem>>, vector<1x128x1xi32>,
    %eq3A_159 = vector.broadcast %broadcast_in_dim3A_152 : vector<128x1xi32> to vector<128x8192xi32>
    %eq3A_160 = arith.cmpi eq, %iota3A, %eq3A_159 : vector<128x8192xi32>
    %jit3A_161 = arith.constant 0x7F800000 : f32
    %broadcast_in_dim3A_162 = vector.broadcast %jit3A_161 : f32 to vector<128x8192xf32>
    %select_n3A_163 = arith.select %eq3A_160, %broadcast_in_dim3A_162, %select_n3A_141 : vector<128x8192xi1>, vector<128x8192xf32>
    %reduce_min3A_164 = arith.constant dense<0x7F800000> : vector<128xf32>
    %reduce_min3A_165 = vector.multi_reduction <minimumf>, %select_n3A_163, %reduce_min3A_164 [1] : vector<128x8192xf32> to vector<128xf32>
    %broadcast_in_dim3A_166 = vector.shape_cast %reduce_min3A_165 : vector<128xf32> to vector<128x1xf32>
    %eq3A_167 = vector.broadcast %broadcast_in_dim3A_166 : vector<128x1xf32> to vector<128x8192xf32>
    %eq3A_168 = arith.cmpf oeq, %select_n3A_163, %eq3A_167 : vector<128x8192xf32>
    %jit3A_169 = arith.constant 8192 : i32
    %broadcast_in_dim3A_170 = vector.broadcast %jit3A_169 : i32 to vector<128x8192xi32>
    %select_n3A_171 = arith.select %eq3A_168, %iota3A, %broadcast_in_dim3A_170 : vector<128x8192xi1>, vector<128x8192xi32>
    %reduce_min3A_172 = arith.constant dense<2147483647> : vector<128xi32>
    %reduce_min3A_173 = vector.multi_reduction <minsi>, %select_n3A_171, %reduce_min3A_172 [1] : vector<128x8192xi32> to vector<128xi32>
    %broadcast_in_dim3A_174 = vector.shape_cast %reduce_min3A_173 : vector<128xi32> to vector<128x1xi32>
    %swap3A_175 = arith.constant 0 : index
    %swap3A_176 = arith.constant 0 : index
    %swap3A_177 = arith.constant 7 : index
    %swap3A_178 = vector.load %arg4[%swap3A_175, %swap3A_176, %swap3A_177] : memref<1x128x16xi32, #tpu.memory_space<vmem>>, vector<1x128x1xi32>
    %swap3A_179 = vector.shape_cast %swap3A_178 : vector<1x128x1xi32> to vector<128x1xi32>
    %swap3A_180 = vector.shape_cast %broadcast_in_dim3A_174 : vector<128x1xi32> to vector<1x128x1xi32>
    tpu.vector_store %arg4[%swap3A_175, %swap3A_176, %swap3A_177], %swap3A_180 {strides = array<i32>} : memref<1x128x16xi32, #tpu.memory_space<vmem>>, vector<1x128x1xi32>,
    %eq3A_181 = vector.broadcast %broadcast_in_dim3A_174 : vector<128x1xi32> to vector<128x8192xi32>
    %eq3A_182 = arith.cmpi eq, %iota3A, %eq3A_181 : vector<128x8192xi32>
    %jit3A_183 = arith.constant 0x7F800000 : f32
    %broadcast_in_dim3A_184 = vector.broadcast %jit3A_183 : f32 to vector<128x8192xf32>
    %select_n3A_185 = arith.select %eq3A_182, %broadcast_in_dim3A_184, %select_n3A_163 : vector<128x8192xi1>, vector<128x8192xf32>
    %reduce_min3A_186 = arith.constant dense<0x7F800000> : vector<128xf32>
    %reduce_min3A_187 = vector.multi_reduction <minimumf>, %select_n3A_185, %reduce_min3A_186 [1] : vector<128x8192xf32> to vector<128xf32>
    %broadcast_in_dim3A_188 = vector.shape_cast %reduce_min3A_187 : vector<128xf32> to vector<128x1xf32>
    %eq3A_189 = vector.broadcast %broadcast_in_dim3A_188 : vector<128x1xf32> to vector<128x8192xf32>
    %eq3A_190 = arith.cmpf oeq, %select_n3A_185, %eq3A_189 : vector<128x8192xf32>
    %jit3A_191 = arith.constant 8192 : i32
    %broadcast_in_dim3A_192 = vector.broadcast %jit3A_191 : i32 to vector<128x8192xi32>
    %select_n3A_193 = arith.select %eq3A_190, %iota3A, %broadcast_in_dim3A_192 : vector<128x8192xi1>, vector<128x8192xi32>
    %reduce_min3A_194 = arith.constant dense<2147483647> : vector<128xi32>
    %reduce_min3A_195 = vector.multi_reduction <minsi>, %select_n3A_193, %reduce_min3A_194 [1] : vector<128x8192xi32> to vector<128xi32>
    %broadcast_in_dim3A_196 = vector.shape_cast %reduce_min3A_195 : vector<128xi32> to vector<128x1xi32>
    %swap3A_197 = arith.constant 0 : index
    %swap3A_198 = arith.constant 0 : index
    %swap3A_199 = arith.constant 8 : index
    %swap3A_200 = vector.load %arg4[%swap3A_197, %swap3A_198, %swap3A_199] : memref<1x128x16xi32, #tpu.memory_space<vmem>>, vector<1x128x1xi32>
    %swap3A_201 = vector.shape_cast %swap3A_200 : vector<1x128x1xi32> to vector<128x1xi32>
    %swap3A_202 = vector.shape_cast %broadcast_in_dim3A_196 : vector<128x1xi32> to vector<1x128x1xi32>
    tpu.vector_store %arg4[%swap3A_197, %swap3A_198, %swap3A_199], %swap3A_202 {strides = array<i32>} : memref<1x128x16xi32, #tpu.memory_space<vmem>>, vector<1x128x1xi32>,
    %eq3A_203 = vector.broadcast %broadcast_in_dim3A_196 : vector<128x1xi32> to vector<128x8192xi32>
    %eq3A_204 = arith.cmpi eq, %iota3A, %eq3A_203 : vector<128x8192xi32>
    %jit3A_205 = arith.constant 0x7F800000 : f32
    %broadcast_in_dim3A_206 = vector.broadcast %jit3A_205 : f32 to vector<128x8192xf32>
    %select_n3A_207 = arith.select %eq3A_204, %broadcast_in_dim3A_206, %select_n3A_185 : vector<128x8192xi1>, vector<128x8192xf32>
    %reduce_min3A_208 = arith.constant dense<0x7F800000> : vector<128xf32>
    %reduce_min3A_209 = vector.multi_reduction <minimumf>, %select_n3A_207, %reduce_min3A_208 [1] : vector<128x8192xf32> to vector<128xf32>
    %broadcast_in_dim3A_210 = vector.shape_cast %reduce_min3A_209 : vector<128xf32> to vector<128x1xf32>
    %eq3A_211 = vector.broadcast %broadcast_in_dim3A_210 : vector<128x1xf32> to vector<128x8192xf32>
    %eq3A_212 = arith.cmpf oeq, %select_n3A_207, %eq3A_211 : vector<128x8192xf32>
    %jit3A_213 = arith.constant 8192 : i32
    %broadcast_in_dim3A_214 = vector.broadcast %jit3A_213 : i32 to vector<128x8192xi32>
    %select_n3A_215 = arith.select %eq3A_212, %iota3A, %broadcast_in_dim3A_214 : vector<128x8192xi1>, vector<128x8192xi32>
    %reduce_min3A_216 = arith.constant dense<2147483647> : vector<128xi32>
    %reduce_min3A_217 = vector.multi_reduction <minsi>, %select_n3A_215, %reduce_min3A_216 [1] : vector<128x8192xi32> to vector<128xi32>
    %broadcast_in_dim3A_218 = vector.shape_cast %reduce_min3A_217 : vector<128xi32> to vector<128x1xi32>
    %swap3A_219 = arith.constant 0 : index
    %swap3A_220 = arith.constant 0 : index
    %swap3A_221 = arith.constant 9 : index
    %swap3A_222 = vector.load %arg4[%swap3A_219, %swap3A_220, %swap3A_221] : memref<1x128x16xi32, #tpu.memory_space<vmem>>, vector<1x128x1xi32>
    %swap3A_223 = vector.shape_cast %swap3A_222 : vector<1x128x1xi32> to vector<128x1xi32>
    %swap3A_224 = vector.shape_cast %broadcast_in_dim3A_218 : vector<128x1xi32> to vector<1x128x1xi32>
    tpu.vector_store %arg4[%swap3A_219, %swap3A_220, %swap3A_221], %swap3A_224 {strides = array<i32>} : memref<1x128x16xi32, #tpu.memory_space<vmem>>, vector<1x128x1xi32>,
    %eq3A_225 = vector.broadcast %broadcast_in_dim3A_218 : vector<128x1xi32> to vector<128x8192xi32>
    %eq3A_226 = arith.cmpi eq, %iota3A, %eq3A_225 : vector<128x8192xi32>
    %jit3A_227 = arith.constant 0x7F800000 : f32
    %broadcast_in_dim3A_228 = vector.broadcast %jit3A_227 : f32 to vector<128x8192xf32>
    %select_n3A_229 = arith.select %eq3A_226, %broadcast_in_dim3A_228, %select_n3A_207 : vector<128x8192xi1>, vector<128x8192xf32>
    %reduce_min3A_230 = arith.constant dense<0x7F800000> : vector<128xf32>
    %reduce_min3A_231 = vector.multi_reduction <minimumf>, %select_n3A_229, %reduce_min3A_230 [1] : vector<128x8192xf32> to vector<128xf32>
    %broadcast_in_dim3A_232 = vector.shape_cast %reduce_min3A_231 : vector<128xf32> to vector<128x1xf32>
    %eq3A_233 = vector.broadcast %broadcast_in_dim3A_232 : vector<128x1xf32> to vector<128x8192xf32>
    %eq3A_234 = arith.cmpf oeq, %select_n3A_229, %eq3A_233 : vector<128x8192xf32>
    %jit3A_235 = arith.constant 8192 : i32
    %broadcast_in_dim3A_236 = vector.broadcast %jit3A_235 : i32 to vector<128x8192xi32>
    %select_n3A_237 = arith.select %eq3A_234, %iota3A, %broadcast_in_dim3A_236 : vector<128x8192xi1>, vector<128x8192xi32>
    %reduce_min3A_238 = arith.constant dense<2147483647> : vector<128xi32>
    %reduce_min3A_239 = vector.multi_reduction <minsi>, %select_n3A_237, %reduce_min3A_238 [1] : vector<128x8192xi32> to vector<128xi32>
    %broadcast_in_dim3A_240 = vector.shape_cast %reduce_min3A_239 : vector<128xi32> to vector<128x1xi32>
    %swap3A_241 = arith.constant 0 : index
    %swap3A_242 = arith.constant 0 : index
    %swap3A_243 = arith.constant 10 : index
    %swap3A_244 = vector.load %arg4[%swap3A_241, %swap3A_242, %swap3A_243] : memref<1x128x16xi32, #tpu.memory_space<vmem>>, vector<1x128x1xi32>
    %swap3A_245 = vector.shape_cast %swap3A_244 : vector<1x128x1xi32> to vector<128x1xi32>
    %swap3A_246 = vector.shape_cast %broadcast_in_dim3A_240 : vector<128x1xi32> to vector<1x128x1xi32>
    tpu.vector_store %arg4[%swap3A_241, %swap3A_242, %swap3A_243], %swap3A_246 {strides = array<i32>} : memref<1x128x16xi32, #tpu.memory_space<vmem>>, vector<1x128x1xi32>,
    %eq3A_247 = vector.broadcast %broadcast_in_dim3A_240 : vector<128x1xi32> to vector<128x8192xi32>
    %eq3A_248 = arith.cmpi eq, %iota3A, %eq3A_247 : vector<128x8192xi32>
    %jit3A_249 = arith.constant 0x7F800000 : f32
    %broadcast_in_dim3A_250 = vector.broadcast %jit3A_249 : f32 to vector<128x8192xf32>
    %select_n3A_251 = arith.select %eq3A_248, %broadcast_in_dim3A_250, %select_n3A_229 : vector<128x8192xi1>, vector<128x8192xf32>
    %reduce_min3A_252 = arith.constant dense<0x7F800000> : vector<128xf32>
    %reduce_min3A_253 = vector.multi_reduction <minimumf>, %select_n3A_251, %reduce_min3A_252 [1] : vector<128x8192xf32> to vector<128xf32>
    %broadcast_in_dim3A_254 = vector.shape_cast %reduce_min3A_253 : vector<128xf32> to vector<128x1xf32>
    %eq3A_255 = vector.broadcast %broadcast_in_dim3A_254 : vector<128x1xf32> to vector<128x8192xf32>
    %eq3A_256 = arith.cmpf oeq, %select_n3A_251, %eq3A_255 : vector<128x8192xf32>
    %jit3A_257 = arith.constant 8192 : i32
    %broadcast_in_dim3A_258 = vector.broadcast %jit3A_257 : i32 to vector<128x8192xi32>
    %select_n3A_259 = arith.select %eq3A_256, %iota3A, %broadcast_in_dim3A_258 : vector<128x8192xi1>, vector<128x8192xi32>
    %reduce_min3A_260 = arith.constant dense<2147483647> : vector<128xi32>
    %reduce_min3A_261 = vector.multi_reduction <minsi>, %select_n3A_259, %reduce_min3A_260 [1] : vector<128x8192xi32> to vector<128xi32>
    %broadcast_in_dim3A_262 = vector.shape_cast %reduce_min3A_261 : vector<128xi32> to vector<128x1xi32>
    %swap3A_263 = arith.constant 0 : index
    %swap3A_264 = arith.constant 0 : index
    %swap3A_265 = arith.constant 11 : index
    %swap3A_266 = vector.load %arg4[%swap3A_263, %swap3A_264, %swap3A_265] : memref<1x128x16xi32, #tpu.memory_space<vmem>>, vector<1x128x1xi32>
    %swap3A_267 = vector.shape_cast %swap3A_266 : vector<1x128x1xi32> to vector<128x1xi32>
    %swap3A_268 = vector.shape_cast %broadcast_in_dim3A_262 : vector<128x1xi32> to vector<1x128x1xi32>
    tpu.vector_store %arg4[%swap3A_263, %swap3A_264, %swap3A_265], %swap3A_268 {strides = array<i32>} : memref<1x128x16xi32, #tpu.memory_space<vmem>>, vector<1x128x1xi32>,
    %eq3A_269 = vector.broadcast %broadcast_in_dim3A_262 : vector<128x1xi32> to vector<128x8192xi32>
    %eq3A_270 = arith.cmpi eq, %iota3A, %eq3A_269 : vector<128x8192xi32>
    %jit3A_271 = arith.constant 0x7F800000 : f32
    %broadcast_in_dim3A_272 = vector.broadcast %jit3A_271 : f32 to vector<128x8192xf32>
    %select_n3A_273 = arith.select %eq3A_270, %broadcast_in_dim3A_272, %select_n3A_251 : vector<128x8192xi1>, vector<128x8192xf32>
    %reduce_min3A_274 = arith.constant dense<0x7F800000> : vector<128xf32>
    %reduce_min3A_275 = vector.multi_reduction <minimumf>, %select_n3A_273, %reduce_min3A_274 [1] : vector<128x8192xf32> to vector<128xf32>
    %broadcast_in_dim3A_276 = vector.shape_cast %reduce_min3A_275 : vector<128xf32> to vector<128x1xf32>
    %eq3A_277 = vector.broadcast %broadcast_in_dim3A_276 : vector<128x1xf32> to vector<128x8192xf32>
    %eq3A_278 = arith.cmpf oeq, %select_n3A_273, %eq3A_277 : vector<128x8192xf32>
    %jit3A_279 = arith.constant 8192 : i32
    %broadcast_in_dim3A_280 = vector.broadcast %jit3A_279 : i32 to vector<128x8192xi32>
    %select_n3A_281 = arith.select %eq3A_278, %iota3A, %broadcast_in_dim3A_280 : vector<128x8192xi1>, vector<128x8192xi32>
    %reduce_min3A_282 = arith.constant dense<2147483647> : vector<128xi32>
    %reduce_min3A_283 = vector.multi_reduction <minsi>, %select_n3A_281, %reduce_min3A_282 [1] : vector<128x8192xi32> to vector<128xi32>
    %broadcast_in_dim3A_284 = vector.shape_cast %reduce_min3A_283 : vector<128xi32> to vector<128x1xi32>
    %swap3A_285 = arith.constant 0 : index
    %swap3A_286 = arith.constant 0 : index
    %swap3A_287 = arith.constant 12 : index
    %swap3A_288 = vector.load %arg4[%swap3A_285, %swap3A_286, %swap3A_287] : memref<1x128x16xi32, #tpu.memory_space<vmem>>, vector<1x128x1xi32>
    %swap3A_289 = vector.shape_cast %swap3A_288 : vector<1x128x1xi32> to vector<128x1xi32>
    %swap3A_290 = vector.shape_cast %broadcast_in_dim3A_284 : vector<128x1xi32> to vector<1x128x1xi32>
    tpu.vector_store %arg4[%swap3A_285, %swap3A_286, %swap3A_287], %swap3A_290 {strides = array<i32>} : memref<1x128x16xi32, #tpu.memory_space<vmem>>, vector<1x128x1xi32>,
    %eq3A_291 = vector.broadcast %broadcast_in_dim3A_284 : vector<128x1xi32> to vector<128x8192xi32>
    %eq3A_292 = arith.cmpi eq, %iota3A, %eq3A_291 : vector<128x8192xi32>
    %jit3A_293 = arith.constant 0x7F800000 : f32
    %broadcast_in_dim3A_294 = vector.broadcast %jit3A_293 : f32 to vector<128x8192xf32>
    %select_n3A_295 = arith.select %eq3A_292, %broadcast_in_dim3A_294, %select_n3A_273 : vector<128x8192xi1>, vector<128x8192xf32>
    %reduce_min3A_296 = arith.constant dense<0x7F800000> : vector<128xf32>
    %reduce_min3A_297 = vector.multi_reduction <minimumf>, %select_n3A_295, %reduce_min3A_296 [1] : vector<128x8192xf32> to vector<128xf32>
    %broadcast_in_dim3A_298 = vector.shape_cast %reduce_min3A_297 : vector<128xf32> to vector<128x1xf32>
    %eq3A_299 = vector.broadcast %broadcast_in_dim3A_298 : vector<128x1xf32> to vector<128x8192xf32>
    %eq3A_300 = arith.cmpf oeq, %select_n3A_295, %eq3A_299 : vector<128x8192xf32>
    %jit3A_301 = arith.constant 8192 : i32
    %broadcast_in_dim3A_302 = vector.broadcast %jit3A_301 : i32 to vector<128x8192xi32>
    %select_n3A_303 = arith.select %eq3A_300, %iota3A, %broadcast_in_dim3A_302 : vector<128x8192xi1>, vector<128x8192xi32>
    %reduce_min3A_304 = arith.constant dense<2147483647> : vector<128xi32>
    %reduce_min3A_305 = vector.multi_reduction <minsi>, %select_n3A_303, %reduce_min3A_304 [1] : vector<128x8192xi32> to vector<128xi32>
    %broadcast_in_dim3A_306 = vector.shape_cast %reduce_min3A_305 : vector<128xi32> to vector<128x1xi32>
    %swap3A_307 = arith.constant 0 : index
    %swap3A_308 = arith.constant 0 : index
    %swap3A_309 = arith.constant 13 : index
    %swap3A_310 = vector.load %arg4[%swap3A_307, %swap3A_308, %swap3A_309] : memref<1x128x16xi32, #tpu.memory_space<vmem>>, vector<1x128x1xi32>
    %swap3A_311 = vector.shape_cast %swap3A_310 : vector<1x128x1xi32> to vector<128x1xi32>
    %swap3A_312 = vector.shape_cast %broadcast_in_dim3A_306 : vector<128x1xi32> to vector<1x128x1xi32>
    tpu.vector_store %arg4[%swap3A_307, %swap3A_308, %swap3A_309], %swap3A_312 {strides = array<i32>} : memref<1x128x16xi32, #tpu.memory_space<vmem>>, vector<1x128x1xi32>,
    %eq3A_313 = vector.broadcast %broadcast_in_dim3A_306 : vector<128x1xi32> to vector<128x8192xi32>
    %eq3A_314 = arith.cmpi eq, %iota3A, %eq3A_313 : vector<128x8192xi32>
    %jit3A_315 = arith.constant 0x7F800000 : f32
    %broadcast_in_dim3A_316 = vector.broadcast %jit3A_315 : f32 to vector<128x8192xf32>
    %select_n3A_317 = arith.select %eq3A_314, %broadcast_in_dim3A_316, %select_n3A_295 : vector<128x8192xi1>, vector<128x8192xf32>
    %reduce_min3A_318 = arith.constant dense<0x7F800000> : vector<128xf32>
    %reduce_min3A_319 = vector.multi_reduction <minimumf>, %select_n3A_317, %reduce_min3A_318 [1] : vector<128x8192xf32> to vector<128xf32>
    %broadcast_in_dim3A_320 = vector.shape_cast %reduce_min3A_319 : vector<128xf32> to vector<128x1xf32>
    %eq3A_321 = vector.broadcast %broadcast_in_dim3A_320 : vector<128x1xf32> to vector<128x8192xf32>
    %eq3A_322 = arith.cmpf oeq, %select_n3A_317, %eq3A_321 : vector<128x8192xf32>
    %jit3A_323 = arith.constant 8192 : i32
    %broadcast_in_dim3A_324 = vector.broadcast %jit3A_323 : i32 to vector<128x8192xi32>
    %select_n3A_325 = arith.select %eq3A_322, %iota3A, %broadcast_in_dim3A_324 : vector<128x8192xi1>, vector<128x8192xi32>
    %reduce_min3A_326 = arith.constant dense<2147483647> : vector<128xi32>
    %reduce_min3A_327 = vector.multi_reduction <minsi>, %select_n3A_325, %reduce_min3A_326 [1] : vector<128x8192xi32> to vector<128xi32>
    %broadcast_in_dim3A_328 = vector.shape_cast %reduce_min3A_327 : vector<128xi32> to vector<128x1xi32>
    %swap3A_329 = arith.constant 0 : index
    %swap3A_330 = arith.constant 0 : index
    %swap3A_331 = arith.constant 14 : index
    %swap3A_332 = vector.load %arg4[%swap3A_329, %swap3A_330, %swap3A_331] : memref<1x128x16xi32, #tpu.memory_space<vmem>>, vector<1x128x1xi32>
    %swap3A_333 = vector.shape_cast %swap3A_332 : vector<1x128x1xi32> to vector<128x1xi32>
    %swap3A_334 = vector.shape_cast %broadcast_in_dim3A_328 : vector<128x1xi32> to vector<1x128x1xi32>
    tpu.vector_store %arg4[%swap3A_329, %swap3A_330, %swap3A_331], %swap3A_334 {strides = array<i32>} : memref<1x128x16xi32, #tpu.memory_space<vmem>>, vector<1x128x1xi32>,
    %eq3A_335 = vector.broadcast %broadcast_in_dim3A_328 : vector<128x1xi32> to vector<128x8192xi32>
    %eq3A_336 = arith.cmpi eq, %iota3A, %eq3A_335 : vector<128x8192xi32>
    %jit3A_337 = arith.constant 0x7F800000 : f32
    %broadcast_in_dim3A_338 = vector.broadcast %jit3A_337 : f32 to vector<128x8192xf32>
    %select_n3A_339 = arith.select %eq3A_336, %broadcast_in_dim3A_338, %select_n3A_317 : vector<128x8192xi1>, vector<128x8192xf32>
    %reduce_min3A_340 = arith.constant dense<0x7F800000> : vector<128xf32>
    %reduce_min3A_341 = vector.multi_reduction <minimumf>, %select_n3A_339, %reduce_min3A_340 [1] : vector<128x8192xf32> to vector<128xf32>
    %broadcast_in_dim3A_342 = vector.shape_cast %reduce_min3A_341 : vector<128xf32> to vector<128x1xf32>
    %eq3A_343 = vector.broadcast %broadcast_in_dim3A_342 : vector<128x1xf32> to vector<128x8192xf32>
    %eq3A_344 = arith.cmpf oeq, %select_n3A_339, %eq3A_343 : vector<128x8192xf32>
    %jit3A_345 = arith.constant 8192 : i32
    %broadcast_in_dim3A_346 = vector.broadcast %jit3A_345 : i32 to vector<128x8192xi32>
    %select_n3A_347 = arith.select %eq3A_344, %iota3A, %broadcast_in_dim3A_346 : vector<128x8192xi1>, vector<128x8192xi32>
    %reduce_min3A_348 = arith.constant dense<2147483647> : vector<128xi32>
    %reduce_min3A_349 = vector.multi_reduction <minsi>, %select_n3A_347, %reduce_min3A_348 [1] : vector<128x8192xi32> to vector<128xi32>
    %broadcast_in_dim3A_350 = vector.shape_cast %reduce_min3A_349 : vector<128xi32> to vector<128x1xi32>
    %swap3A_351 = arith.constant 0 : index
    %swap3A_352 = arith.constant 0 : index
    %swap3A_353 = arith.constant 15 : index
    %swap3A_354 = vector.load %arg4[%swap3A_351, %swap3A_352, %swap3A_353] : memref<1x128x16xi32, #tpu.memory_space<vmem>>, vector<1x128x1xi32>
    %swap3A_355 = vector.shape_cast %swap3A_354 : vector<1x128x1xi32> to vector<128x1xi32>
    %swap3A_356 = vector.shape_cast %broadcast_in_dim3A_350 : vector<128x1xi32> to vector<1x128x1xi32>
    tpu.vector_store %arg4[%swap3A_351, %swap3A_352, %swap3A_353], %swap3A_356 {strides = array<i32>} : memref<1x128x16xi32, #tpu.memory_space<vmem>>, vector<1x128x1xi32>,
    return
  }
  func.func @transform_0(%arg0: i32, %arg1: i32) -> (i32, i32, i32) {
    %c0_i32 = arith.constant 0 : i32
    %c0_i32_0 = arith.constant 0 : i32
    return %arg0, %arg1, %c0_i32 : i32, i32, i32
  }
  func.func @transform_1(%arg0: i32, %arg1: i32) -> (i32, i32, i32) {
    %c0_i32 = arith.constant 0 : i32
    %c0_i32_0 = arith.constant 0 : i32
    %c0_i32_1 = arith.constant 0 : i32
    return %arg0, %c0_i32, %c0_i32_0 : i32, i32, i32
  }
  func.func @transform_2(%arg0: i32, %arg1: i32) -> (i32, i32, i32) {
    %c0_i32 = arith.constant 0 : i32
    %c0_i32_0 = arith.constant 0 : i32
    return %arg0, %arg1, %c0_i32 : i32, i32, i32
  }
}

module attributes {stable_mosaic.version = 14 : i64} {
  func.func @_fps_body(%arg0: memref<4x64x8192xf32, #tpu.memory_space<vmem>>, %arg1: memref<4x8192x64xf32, #tpu.memory_space<vmem>>, %arg2: memref<4x8x128xi32, #tpu.memory_space<vmem>>, %arg3: memref<4x1024x64xf32, #tpu.memory_space<vmem>>) attributes {dimension_semantics = [], scalar_prefetch = 0 : i64, scratch_operands = 0 : i64, tpu.core_type = #tpu.core_type<tc>} {
    %iota3A = tpu.iota {dimensions = array<i32: 0>} : vector<8x1024xi32>
    %mul3A = arith.constant 1024 : i32
    %mul3A_0 = vector.broadcast %mul3A : i32 to vector<8x1024xi32>
    %mul3A_1 = arith.muli %iota3A, %mul3A_0 : vector<8x1024xi32>
    %iota3A_2 = tpu.iota {dimensions = array<i32: 1>} : vector<8x1024xi32>
    %add3A = arith.addi %mul3A_1, %iota3A_2 : vector<8x1024xi32>
    %iota3A_3 = tpu.iota {dimensions = array<i32: 0>} : vector<8x128xi32>
    %mul3A_4 = arith.constant 128 : i32
    %mul3A_5 = vector.broadcast %mul3A_4 : i32 to vector<8x128xi32>
    %mul3A_6 = arith.muli %iota3A_3, %mul3A_5 : vector<8x128xi32>
    %iota3A_7 = tpu.iota {dimensions = array<i32: 1>} : vector<8x128xi32>
    %add3A_8 = arith.addi %mul3A_6, %iota3A_7 : vector<8x128xi32>
    %broadcast_in_dim3A = arith.constant 0x7F800000 : f32
    %broadcast_in_dim3A_9 = vector.broadcast %broadcast_in_dim3A : f32 to vector<8x1024xf32>
    %broadcast_in_dim3A_10 = arith.constant 0x7F800000 : f32
    %broadcast_in_dim3A_11 = vector.broadcast %broadcast_in_dim3A_10 : f32 to vector<8x1024xf32>
    %broadcast_in_dim3A_12 = arith.constant 0x7F800000 : f32
    %broadcast_in_dim3A_13 = vector.broadcast %broadcast_in_dim3A_12 : f32 to vector<8x1024xf32>
    %broadcast_in_dim3A_14 = arith.constant 0x7F800000 : f32
    %broadcast_in_dim3A_15 = vector.broadcast %broadcast_in_dim3A_14 : f32 to vector<8x1024xf32>
    %broadcast_in_dim3A_16 = arith.constant 0 : i32
    %broadcast_in_dim3A_17 = vector.broadcast %broadcast_in_dim3A_16 : i32 to vector<8x128xi32>
    %broadcast_in_dim3A_18 = arith.constant 0 : i32
    %broadcast_in_dim3A_19 = vector.broadcast %broadcast_in_dim3A_18 : i32 to vector<8x128xi32>
    %broadcast_in_dim3A_20 = arith.constant 0 : i32
    %broadcast_in_dim3A_21 = vector.broadcast %broadcast_in_dim3A_20 : i32 to vector<8x128xi32>
    %broadcast_in_dim3A_22 = arith.constant 0 : i32
    %broadcast_in_dim3A_23 = vector.broadcast %broadcast_in_dim3A_22 : i32 to vector<8x128xi32>
    %scan3A = arith.constant 0 : i32
    %scan3A_24 = arith.constant 0 : i32
    %scan3A_25 = arith.constant 0 : i32
    %scan3A_26 = arith.constant 0 : i32
    %scan3A_27 = arith.constant 0 : i32
    %scan3A_28 = arith.constant 1024 : i32
    %scan3A_29 = arith.addi %scan3A_27, %scan3A_28 : i32
    %scan3A_30 = arith.constant 1 : i32
    %scan3A_31:12 = scf.for %scan3A_56 = %scan3A_27 to %scan3A_29 step %scan3A_30 iter_args(%scan3A_57 = %broadcast_in_dim3A_9, %scan3A_58 = %broadcast_in_dim3A_11, %scan3A_59 = %broadcast_in_dim3A_13, %scan3A_60 = %broadcast_in_dim3A_15, %scan3A_61 = %scan3A, %scan3A_62 = %scan3A_24, %scan3A_63 = %scan3A_25, %scan3A_64 = %scan3A_26, %scan3A_65 = %broadcast_in_dim3A_17, %scan3A_66 = %broadcast_in_dim3A_19, %scan3A_67 = %broadcast_in_dim3A_21, %scan3A_68 = %broadcast_in_dim3A_23) -> (vector<8x1024xf32>, vector<8x1024xf32>, vector<8x1024xf32>, vector<8x1024xf32>, i32, i32, i32, i32, vector<8x128xi32>, vector<8x128xi32>, vector<8x128xi32>, vector<8x128xi32>)  : i32 {
      %eq3A = vector.broadcast %scan3A_56 : i32 to vector<8x128xi32>
      %eq3A_69 = arith.cmpi eq, %add3A_8, %eq3A : vector<8x128xi32>
      %broadcast_in_dim3A_70 = vector.broadcast %scan3A_61 : i32 to vector<8x128xi32>
      %select_n3A = arith.select %eq3A_69, %broadcast_in_dim3A_70, %scan3A_65 : vector<8x128xi1>, vector<8x128xi32>
      %get3A = arith.constant 0 : index
      %get3A_71 = arith.index_cast %scan3A_61 : i32 to index
      %get3A_72 = arith.constant 0 : index
      %get3A_73 = vector.load %arg1[%get3A, %get3A_71, %get3A_72] : memref<4x8192x64xf32, #tpu.memory_space<vmem>>, vector<1x1x64xf32>
      %get3A_74 = vector.shape_cast %get3A_73 : vector<1x1x64xf32> to vector<1x64xf32>
      %swap3A_75 = arith.constant 0 : index
      %swap3A_76 = arith.index_cast %scan3A_56 : i32 to index
      %swap3A_77 = arith.constant 0 : index
      %swap3A_78 = vector.load %arg3[%swap3A_75, %swap3A_76, %swap3A_77] : memref<4x1024x64xf32, #tpu.memory_space<vmem>>, vector<1x1x64xf32>
      %swap3A_79 = vector.shape_cast %swap3A_78 : vector<1x1x64xf32> to vector<1x64xf32>
      %swap3A_80 = vector.shape_cast %get3A_74 : vector<1x64xf32> to vector<1x1x64xf32>
      tpu.vector_store %arg3[%swap3A_75, %swap3A_76, %swap3A_77], %swap3A_80 {strides = array<i32>} : memref<4x1024x64xf32, #tpu.memory_space<vmem>>, vector<1x1x64xf32>,
      %transpose3A = tpu.transpose %get3A_74, [1, 0] : vector<1x64xf32> -> vector<64x1xf32>
      %get3A_81 = arith.constant 0 : index
      %get3A_82 = arith.constant 0 : index
      %get3A_83 = arith.constant 0 : index
      %get3A_84 = vector.load %arg0[%get3A_81, %get3A_82, %get3A_83] : memref<4x64x8192xf32, #tpu.memory_space<vmem>>, vector<1x64x1024xf32>
      %get3A_85 = vector.shape_cast %get3A_84 : vector<1x64x1024xf32> to vector<64x1024xf32>
      %sub3A = vector.broadcast %transpose3A : vector<64x1xf32> to vector<64x1024xf32>
      %sub3A_86 = arith.subf %get3A_85, %sub3A : vector<64x1024xf32>
      %mul3A_87 = arith.mulf %sub3A_86, %sub3A_86 : vector<64x1024xf32>
      %reduce_sum3A = arith.constant dense<0.000000e+00> : vector<1024xf32>
      %reduce_sum3A_88 = vector.multi_reduction <add>, %mul3A_87, %reduce_sum3A [0] : vector<64x1024xf32> to vector<1024xf32>
      %broadcast_in_dim3A_89 = vector.shape_cast %reduce_sum3A_88 : vector<1024xf32> to vector<1x1024xf32>
      %get3A_90 = arith.constant 0 : index
      %get3A_91 = arith.constant 0 : index
      %get3A_92 = arith.constant 1024 : index
      %get3A_93 = vector.load %arg0[%get3A_90, %get3A_91, %get3A_92] : memref<4x64x8192xf32, #tpu.memory_space<vmem>>, vector<1x64x1024xf32>
      %get3A_94 = vector.shape_cast %get3A_93 : vector<1x64x1024xf32> to vector<64x1024xf32>
      %sub3A_95 = vector.broadcast %transpose3A : vector<64x1xf32> to vector<64x1024xf32>
      %sub3A_96 = arith.subf %get3A_94, %sub3A_95 : vector<64x1024xf32>
      %mul3A_97 = arith.mulf %sub3A_96, %sub3A_96 : vector<64x1024xf32>
      %reduce_sum3A_98 = arith.constant dense<0.000000e+00> : vector<1024xf32>
      %reduce_sum3A_99 = vector.multi_reduction <add>, %mul3A_97, %reduce_sum3A_98 [0] : vector<64x1024xf32> to vector<1024xf32>
      %broadcast_in_dim3A_100 = vector.shape_cast %reduce_sum3A_99 : vector<1024xf32> to vector<1x1024xf32>
      %get3A_101 = arith.constant 0 : index
      %get3A_102 = arith.constant 0 : index
      %get3A_103 = arith.constant 2048 : index
      %get3A_104 = vector.load %arg0[%get3A_101, %get3A_102, %get3A_103] : memref<4x64x8192xf32, #tpu.memory_space<vmem>>, vector<1x64x1024xf32>
      %get3A_105 = vector.shape_cast %get3A_104 : vector<1x64x1024xf32> to vector<64x1024xf32>
      %sub3A_106 = vector.broadcast %transpose3A : vector<64x1xf32> to vector<64x1024xf32>
      %sub3A_107 = arith.subf %get3A_105, %sub3A_106 : vector<64x1024xf32>
      %mul3A_108 = arith.mulf %sub3A_107, %sub3A_107 : vector<64x1024xf32>
      %reduce_sum3A_109 = arith.constant dense<0.000000e+00> : vector<1024xf32>
      %reduce_sum3A_110 = vector.multi_reduction <add>, %mul3A_108, %reduce_sum3A_109 [0] : vector<64x1024xf32> to vector<1024xf32>
      %broadcast_in_dim3A_111 = vector.shape_cast %reduce_sum3A_110 : vector<1024xf32> to vector<1x1024xf32>
      %get3A_112 = arith.constant 0 : index
      %get3A_113 = arith.constant 0 : index
      %get3A_114 = arith.constant 3072 : index
      %get3A_115 = vector.load %arg0[%get3A_112, %get3A_113, %get3A_114] : memref<4x64x8192xf32, #tpu.memory_space<vmem>>, vector<1x64x1024xf32>
      %get3A_116 = vector.shape_cast %get3A_115 : vector<1x64x1024xf32> to vector<64x1024xf32>
      %sub3A_117 = vector.broadcast %transpose3A : vector<64x1xf32> to vector<64x1024xf32>
      %sub3A_118 = arith.subf %get3A_116, %sub3A_117 : vector<64x1024xf32>
      %mul3A_119 = arith.mulf %sub3A_118, %sub3A_118 : vector<64x1024xf32>
      %reduce_sum3A_120 = arith.constant dense<0.000000e+00> : vector<1024xf32>
      %reduce_sum3A_121 = vector.multi_reduction <add>, %mul3A_119, %reduce_sum3A_120 [0] : vector<64x1024xf32> to vector<1024xf32>
      %broadcast_in_dim3A_122 = vector.shape_cast %reduce_sum3A_121 : vector<1024xf32> to vector<1x1024xf32>
      %get3A_123 = arith.constant 0 : index
      %get3A_124 = arith.constant 0 : index
      %get3A_125 = arith.constant 4096 : index
      %get3A_126 = vector.load %arg0[%get3A_123, %get3A_124, %get3A_125] : memref<4x64x8192xf32, #tpu.memory_space<vmem>>, vector<1x64x1024xf32>
      %get3A_127 = vector.shape_cast %get3A_126 : vector<1x64x1024xf32> to vector<64x1024xf32>
      %sub3A_128 = vector.broadcast %transpose3A : vector<64x1xf32> to vector<64x1024xf32>
      %sub3A_129 = arith.subf %get3A_127, %sub3A_128 : vector<64x1024xf32>
      %mul3A_130 = arith.mulf %sub3A_129, %sub3A_129 : vector<64x1024xf32>
      %reduce_sum3A_131 = arith.constant dense<0.000000e+00> : vector<1024xf32>
      %reduce_sum3A_132 = vector.multi_reduction <add>, %mul3A_130, %reduce_sum3A_131 [0] : vector<64x1024xf32> to vector<1024xf32>
      %broadcast_in_dim3A_133 = vector.shape_cast %reduce_sum3A_132 : vector<1024xf32> to vector<1x1024xf32>
      %get3A_134 = arith.constant 0 : index
      %get3A_135 = arith.constant 0 : index
      %get3A_136 = arith.constant 5120 : index
      %get3A_137 = vector.load %arg0[%get3A_134, %get3A_135, %get3A_136] : memref<4x64x8192xf32, #tpu.memory_space<vmem>>, vector<1x64x1024xf32>
      %get3A_138 = vector.shape_cast %get3A_137 : vector<1x64x1024xf32> to vector<64x1024xf32>
      %sub3A_139 = vector.broadcast %transpose3A : vector<64x1xf32> to vector<64x1024xf32>
      %sub3A_140 = arith.subf %get3A_138, %sub3A_139 : vector<64x1024xf32>
      %mul3A_141 = arith.mulf %sub3A_140, %sub3A_140 : vector<64x1024xf32>
      %reduce_sum3A_142 = arith.constant dense<0.000000e+00> : vector<1024xf32>
      %reduce_sum3A_143 = vector.multi_reduction <add>, %mul3A_141, %reduce_sum3A_142 [0] : vector<64x1024xf32> to vector<1024xf32>
      %broadcast_in_dim3A_144 = vector.shape_cast %reduce_sum3A_143 : vector<1024xf32> to vector<1x1024xf32>
      %get3A_145 = arith.constant 0 : index
      %get3A_146 = arith.constant 0 : index
      %get3A_147 = arith.constant 6144 : index
      %get3A_148 = vector.load %arg0[%get3A_145, %get3A_146, %get3A_147] : memref<4x64x8192xf32, #tpu.memory_space<vmem>>, vector<1x64x1024xf32>
      %get3A_149 = vector.shape_cast %get3A_148 : vector<1x64x1024xf32> to vector<64x1024xf32>
      %sub3A_150 = vector.broadcast %transpose3A : vector<64x1xf32> to vector<64x1024xf32>
      %sub3A_151 = arith.subf %get3A_149, %sub3A_150 : vector<64x1024xf32>
      %mul3A_152 = arith.mulf %sub3A_151, %sub3A_151 : vector<64x1024xf32>
      %reduce_sum3A_153 = arith.constant dense<0.000000e+00> : vector<1024xf32>
      %reduce_sum3A_154 = vector.multi_reduction <add>, %mul3A_152, %reduce_sum3A_153 [0] : vector<64x1024xf32> to vector<1024xf32>
      %broadcast_in_dim3A_155 = vector.shape_cast %reduce_sum3A_154 : vector<1024xf32> to vector<1x1024xf32>
      %get3A_156 = arith.constant 0 : index
      %get3A_157 = arith.constant 0 : index
      %get3A_158 = arith.constant 7168 : index
      %get3A_159 = vector.load %arg0[%get3A_156, %get3A_157, %get3A_158] : memref<4x64x8192xf32, #tpu.memory_space<vmem>>, vector<1x64x1024xf32>
      %get3A_160 = vector.shape_cast %get3A_159 : vector<1x64x1024xf32> to vector<64x1024xf32>
      %sub3A_161 = vector.broadcast %transpose3A : vector<64x1xf32> to vector<64x1024xf32>
      %sub3A_162 = arith.subf %get3A_160, %sub3A_161 : vector<64x1024xf32>
      %mul3A_163 = arith.mulf %sub3A_162, %sub3A_162 : vector<64x1024xf32>
      %reduce_sum3A_164 = arith.constant dense<0.000000e+00> : vector<1024xf32>
      %reduce_sum3A_165 = vector.multi_reduction <add>, %mul3A_163, %reduce_sum3A_164 [0] : vector<64x1024xf32> to vector<1024xf32>
      %broadcast_in_dim3A_166 = vector.shape_cast %reduce_sum3A_165 : vector<1024xf32> to vector<1x1024xf32>
      %concatenate3A = tpu.concatenate %broadcast_in_dim3A_89, %broadcast_in_dim3A_100, %broadcast_in_dim3A_111, %broadcast_in_dim3A_122, %broadcast_in_dim3A_133, %broadcast_in_dim3A_144, %broadcast_in_dim3A_155, %broadcast_in_dim3A_166 in 0 : vector<1x1024xf32>, vector<1x1024xf32>, vector<1x1024xf32>, vector<1x1024xf32>, vector<1x1024xf32>, vector<1x1024xf32>, vector<1x1024xf32>, vector<1x1024xf32> -> vector<8x1024xf32>
      %min3A = arith.minimumf %scan3A_57, %concatenate3A : vector<8x1024xf32>
      %reduce_max3A = vector.shape_cast %min3A : vector<8x1024xf32> to vector<1x8x1024xf32>
      %reduce_max3A_167 = arith.constant dense<0xFF800000> : vector<1xf32>
      %reduce_max3A_168 = vector.multi_reduction <maximumf>, %reduce_max3A, %reduce_max3A_167 [1, 2] : vector<1x8x1024xf32> to vector<1xf32>
      %reduce_max3A_169 = vector.shape_cast %reduce_max3A_168 : vector<1xf32> to vector<1x1x1xf32>
      %reduce_max3A_170 = vector.extract %reduce_max3A_169[0, 0, 0] : f32 from vector<1x1x1xf32>
      %eq3A_171 = vector.broadcast %reduce_max3A_170 : f32 to vector<8x1024xf32>
      %eq3A_172 = arith.cmpf oeq, %min3A, %eq3A_171 : vector<8x1024xf32>
      %jit3A = arith.constant 8192 : i32
      %broadcast_in_dim3A_173 = vector.broadcast %jit3A : i32 to vector<8x1024xi32>
      %select_n3A_174 = arith.select %eq3A_172, %add3A, %broadcast_in_dim3A_173 : vector<8x1024xi1>, vector<8x1024xi32>
      %reduce_min3A = vector.shape_cast %select_n3A_174 : vector<8x1024xi32> to vector<1x8x1024xi32>
      %reduce_min3A_175 = arith.constant dense<2147483647> : vector<1xi32>
      %reduce_min3A_176 = vector.multi_reduction <minsi>, %reduce_min3A, %reduce_min3A_175 [1, 2] : vector<1x8x1024xi32> to vector<1xi32>
      %reduce_min3A_177 = vector.shape_cast %reduce_min3A_176 : vector<1xi32> to vector<1x1x1xi32>
      %reduce_min3A_178 = vector.extract %reduce_min3A_177[0, 0, 0] : i32 from vector<1x1x1xi32>
      %eq3A_179 = vector.broadcast %scan3A_56 : i32 to vector<8x128xi32>
      %eq3A_180 = arith.cmpi eq, %add3A_8, %eq3A_179 : vector<8x128xi32>
      %broadcast_in_dim3A_181 = vector.broadcast %scan3A_62 : i32 to vector<8x128xi32>
      %select_n3A_182 = arith.select %eq3A_180, %broadcast_in_dim3A_181, %scan3A_66 : vector<8x128xi1>, vector<8x128xi32>
      %get3A_183 = arith.constant 1 : index
      %get3A_184 = arith.index_cast %scan3A_62 : i32 to index
      %get3A_185 = arith.constant 0 : index
      %get3A_186 = vector.load %arg1[%get3A_183, %get3A_184, %get3A_185] : memref<4x8192x64xf32, #tpu.memory_space<vmem>>, vector<1x1x64xf32>
      %get3A_187 = vector.shape_cast %get3A_186 : vector<1x1x64xf32> to vector<1x64xf32>
      %swap3A_188 = arith.constant 1 : index
      %swap3A_189 = arith.index_cast %scan3A_56 : i32 to index
      %swap3A_190 = arith.constant 0 : index
      %swap3A_191 = vector.load %arg3[%swap3A_188, %swap3A_189, %swap3A_190] : memref<4x1024x64xf32, #tpu.memory_space<vmem>>, vector<1x1x64xf32>
      %swap3A_192 = vector.shape_cast %swap3A_191 : vector<1x1x64xf32> to vector<1x64xf32>
      %swap3A_193 = vector.shape_cast %get3A_187 : vector<1x64xf32> to vector<1x1x64xf32>
      tpu.vector_store %arg3[%swap3A_188, %swap3A_189, %swap3A_190], %swap3A_193 {strides = array<i32>} : memref<4x1024x64xf32, #tpu.memory_space<vmem>>, vector<1x1x64xf32>,
      %transpose3A_194 = tpu.transpose %get3A_187, [1, 0] : vector<1x64xf32> -> vector<64x1xf32>
      %get3A_195 = arith.constant 1 : index
      %get3A_196 = arith.constant 0 : index
      %get3A_197 = arith.constant 0 : index
      %get3A_198 = vector.load %arg0[%get3A_195, %get3A_196, %get3A_197] : memref<4x64x8192xf32, #tpu.memory_space<vmem>>, vector<1x64x1024xf32>
      %get3A_199 = vector.shape_cast %get3A_198 : vector<1x64x1024xf32> to vector<64x1024xf32>
      %sub3A_200 = vector.broadcast %transpose3A_194 : vector<64x1xf32> to vector<64x1024xf32>
      %sub3A_201 = arith.subf %get3A_199, %sub3A_200 : vector<64x1024xf32>
      %mul3A_202 = arith.mulf %sub3A_201, %sub3A_201 : vector<64x1024xf32>
      %reduce_sum3A_203 = arith.constant dense<0.000000e+00> : vector<1024xf32>
      %reduce_sum3A_204 = vector.multi_reduction <add>, %mul3A_202, %reduce_sum3A_203 [0] : vector<64x1024xf32> to vector<1024xf32>
      %broadcast_in_dim3A_205 = vector.shape_cast %reduce_sum3A_204 : vector<1024xf32> to vector<1x1024xf32>
      %get3A_206 = arith.constant 1 : index
      %get3A_207 = arith.constant 0 : index
      %get3A_208 = arith.constant 1024 : index
      %get3A_209 = vector.load %arg0[%get3A_206, %get3A_207, %get3A_208] : memref<4x64x8192xf32, #tpu.memory_space<vmem>>, vector<1x64x1024xf32>
      %get3A_210 = vector.shape_cast %get3A_209 : vector<1x64x1024xf32> to vector<64x1024xf32>
      %sub3A_211 = vector.broadcast %transpose3A_194 : vector<64x1xf32> to vector<64x1024xf32>
      %sub3A_212 = arith.subf %get3A_210, %sub3A_211 : vector<64x1024xf32>
      %mul3A_213 = arith.mulf %sub3A_212, %sub3A_212 : vector<64x1024xf32>
      %reduce_sum3A_214 = arith.constant dense<0.000000e+00> : vector<1024xf32>
      %reduce_sum3A_215 = vector.multi_reduction <add>, %mul3A_213, %reduce_sum3A_214 [0] : vector<64x1024xf32> to vector<1024xf32>
      %broadcast_in_dim3A_216 = vector.shape_cast %reduce_sum3A_215 : vector<1024xf32> to vector<1x1024xf32>
      %get3A_217 = arith.constant 1 : index
      %get3A_218 = arith.constant 0 : index
      %get3A_219 = arith.constant 2048 : index
      %get3A_220 = vector.load %arg0[%get3A_217, %get3A_218, %get3A_219] : memref<4x64x8192xf32, #tpu.memory_space<vmem>>, vector<1x64x1024xf32>
      %get3A_221 = vector.shape_cast %get3A_220 : vector<1x64x1024xf32> to vector<64x1024xf32>
      %sub3A_222 = vector.broadcast %transpose3A_194 : vector<64x1xf32> to vector<64x1024xf32>
      %sub3A_223 = arith.subf %get3A_221, %sub3A_222 : vector<64x1024xf32>
      %mul3A_224 = arith.mulf %sub3A_223, %sub3A_223 : vector<64x1024xf32>
      %reduce_sum3A_225 = arith.constant dense<0.000000e+00> : vector<1024xf32>
      %reduce_sum3A_226 = vector.multi_reduction <add>, %mul3A_224, %reduce_sum3A_225 [0] : vector<64x1024xf32> to vector<1024xf32>
      %broadcast_in_dim3A_227 = vector.shape_cast %reduce_sum3A_226 : vector<1024xf32> to vector<1x1024xf32>
      %get3A_228 = arith.constant 1 : index
      %get3A_229 = arith.constant 0 : index
      %get3A_230 = arith.constant 3072 : index
      %get3A_231 = vector.load %arg0[%get3A_228, %get3A_229, %get3A_230] : memref<4x64x8192xf32, #tpu.memory_space<vmem>>, vector<1x64x1024xf32>
      %get3A_232 = vector.shape_cast %get3A_231 : vector<1x64x1024xf32> to vector<64x1024xf32>
      %sub3A_233 = vector.broadcast %transpose3A_194 : vector<64x1xf32> to vector<64x1024xf32>
      %sub3A_234 = arith.subf %get3A_232, %sub3A_233 : vector<64x1024xf32>
      %mul3A_235 = arith.mulf %sub3A_234, %sub3A_234 : vector<64x1024xf32>
      %reduce_sum3A_236 = arith.constant dense<0.000000e+00> : vector<1024xf32>
      %reduce_sum3A_237 = vector.multi_reduction <add>, %mul3A_235, %reduce_sum3A_236 [0] : vector<64x1024xf32> to vector<1024xf32>
      %broadcast_in_dim3A_238 = vector.shape_cast %reduce_sum3A_237 : vector<1024xf32> to vector<1x1024xf32>
      %get3A_239 = arith.constant 1 : index
      %get3A_240 = arith.constant 0 : index
      %get3A_241 = arith.constant 4096 : index
      %get3A_242 = vector.load %arg0[%get3A_239, %get3A_240, %get3A_241] : memref<4x64x8192xf32, #tpu.memory_space<vmem>>, vector<1x64x1024xf32>
      %get3A_243 = vector.shape_cast %get3A_242 : vector<1x64x1024xf32> to vector<64x1024xf32>
      %sub3A_244 = vector.broadcast %transpose3A_194 : vector<64x1xf32> to vector<64x1024xf32>
      %sub3A_245 = arith.subf %get3A_243, %sub3A_244 : vector<64x1024xf32>
      %mul3A_246 = arith.mulf %sub3A_245, %sub3A_245 : vector<64x1024xf32>
      %reduce_sum3A_247 = arith.constant dense<0.000000e+00> : vector<1024xf32>
      %reduce_sum3A_248 = vector.multi_reduction <add>, %mul3A_246, %reduce_sum3A_247 [0] : vector<64x1024xf32> to vector<1024xf32>
      %broadcast_in_dim3A_249 = vector.shape_cast %reduce_sum3A_248 : vector<1024xf32> to vector<1x1024xf32>
      %get3A_250 = arith.constant 1 : index
      %get3A_251 = arith.constant 0 : index
      %get3A_252 = arith.constant 5120 : index
      %get3A_253 = vector.load %arg0[%get3A_250, %get3A_251, %get3A_252] : memref<4x64x8192xf32, #tpu.memory_space<vmem>>, vector<1x64x1024xf32>
      %get3A_254 = vector.shape_cast %get3A_253 : vector<1x64x1024xf32> to vector<64x1024xf32>
      %sub3A_255 = vector.broadcast %transpose3A_194 : vector<64x1xf32> to vector<64x1024xf32>
      %sub3A_256 = arith.subf %get3A_254, %sub3A_255 : vector<64x1024xf32>
      %mul3A_257 = arith.mulf %sub3A_256, %sub3A_256 : vector<64x1024xf32>
      %reduce_sum3A_258 = arith.constant dense<0.000000e+00> : vector<1024xf32>
      %reduce_sum3A_259 = vector.multi_reduction <add>, %mul3A_257, %reduce_sum3A_258 [0] : vector<64x1024xf32> to vector<1024xf32>
      %broadcast_in_dim3A_260 = vector.shape_cast %reduce_sum3A_259 : vector<1024xf32> to vector<1x1024xf32>
      %get3A_261 = arith.constant 1 : index
      %get3A_262 = arith.constant 0 : index
      %get3A_263 = arith.constant 6144 : index
      %get3A_264 = vector.load %arg0[%get3A_261, %get3A_262, %get3A_263] : memref<4x64x8192xf32, #tpu.memory_space<vmem>>, vector<1x64x1024xf32>
      %get3A_265 = vector.shape_cast %get3A_264 : vector<1x64x1024xf32> to vector<64x1024xf32>
      %sub3A_266 = vector.broadcast %transpose3A_194 : vector<64x1xf32> to vector<64x1024xf32>
      %sub3A_267 = arith.subf %get3A_265, %sub3A_266 : vector<64x1024xf32>
      %mul3A_268 = arith.mulf %sub3A_267, %sub3A_267 : vector<64x1024xf32>
      %reduce_sum3A_269 = arith.constant dense<0.000000e+00> : vector<1024xf32>
      %reduce_sum3A_270 = vector.multi_reduction <add>, %mul3A_268, %reduce_sum3A_269 [0] : vector<64x1024xf32> to vector<1024xf32>
      %broadcast_in_dim3A_271 = vector.shape_cast %reduce_sum3A_270 : vector<1024xf32> to vector<1x1024xf32>
      %get3A_272 = arith.constant 1 : index
      %get3A_273 = arith.constant 0 : index
      %get3A_274 = arith.constant 7168 : index
      %get3A_275 = vector.load %arg0[%get3A_272, %get3A_273, %get3A_274] : memref<4x64x8192xf32, #tpu.memory_space<vmem>>, vector<1x64x1024xf32>
      %get3A_276 = vector.shape_cast %get3A_275 : vector<1x64x1024xf32> to vector<64x1024xf32>
      %sub3A_277 = vector.broadcast %transpose3A_194 : vector<64x1xf32> to vector<64x1024xf32>
      %sub3A_278 = arith.subf %get3A_276, %sub3A_277 : vector<64x1024xf32>
      %mul3A_279 = arith.mulf %sub3A_278, %sub3A_278 : vector<64x1024xf32>
      %reduce_sum3A_280 = arith.constant dense<0.000000e+00> : vector<1024xf32>
      %reduce_sum3A_281 = vector.multi_reduction <add>, %mul3A_279, %reduce_sum3A_280 [0] : vector<64x1024xf32> to vector<1024xf32>
      %broadcast_in_dim3A_282 = vector.shape_cast %reduce_sum3A_281 : vector<1024xf32> to vector<1x1024xf32>
      %concatenate3A_283 = tpu.concatenate %broadcast_in_dim3A_205, %broadcast_in_dim3A_216, %broadcast_in_dim3A_227, %broadcast_in_dim3A_238, %broadcast_in_dim3A_249, %broadcast_in_dim3A_260, %broadcast_in_dim3A_271, %broadcast_in_dim3A_282 in 0 : vector<1x1024xf32>, vector<1x1024xf32>, vector<1x1024xf32>, vector<1x1024xf32>, vector<1x1024xf32>, vector<1x1024xf32>, vector<1x1024xf32>, vector<1x1024xf32> -> vector<8x1024xf32>
      %min3A_284 = arith.minimumf %scan3A_58, %concatenate3A_283 : vector<8x1024xf32>
      %reduce_max3A_285 = vector.shape_cast %min3A_284 : vector<8x1024xf32> to vector<1x8x1024xf32>
      %reduce_max3A_286 = arith.constant dense<0xFF800000> : vector<1xf32>
      %reduce_max3A_287 = vector.multi_reduction <maximumf>, %reduce_max3A_285, %reduce_max3A_286 [1, 2] : vector<1x8x1024xf32> to vector<1xf32>
      %reduce_max3A_288 = vector.shape_cast %reduce_max3A_287 : vector<1xf32> to vector<1x1x1xf32>
      %reduce_max3A_289 = vector.extract %reduce_max3A_288[0, 0, 0] : f32 from vector<1x1x1xf32>
      %eq3A_290 = vector.broadcast %reduce_max3A_289 : f32 to vector<8x1024xf32>
      %eq3A_291 = arith.cmpf oeq, %min3A_284, %eq3A_290 : vector<8x1024xf32>
      %jit3A_292 = arith.constant 8192 : i32
      %broadcast_in_dim3A_293 = vector.broadcast %jit3A_292 : i32 to vector<8x1024xi32>
      %select_n3A_294 = arith.select %eq3A_291, %add3A, %broadcast_in_dim3A_293 : vector<8x1024xi1>, vector<8x1024xi32>
      %reduce_min3A_295 = vector.shape_cast %select_n3A_294 : vector<8x1024xi32> to vector<1x8x1024xi32>
      %reduce_min3A_296 = arith.constant dense<2147483647> : vector<1xi32>
      %reduce_min3A_297 = vector.multi_reduction <minsi>, %reduce_min3A_295, %reduce_min3A_296 [1, 2] : vector<1x8x1024xi32> to vector<1xi32>
      %reduce_min3A_298 = vector.shape_cast %reduce_min3A_297 : vector<1xi32> to vector<1x1x1xi32>
      %reduce_min3A_299 = vector.extract %reduce_min3A_298[0, 0, 0] : i32 from vector<1x1x1xi32>
      %eq3A_300 = vector.broadcast %scan3A_56 : i32 to vector<8x128xi32>
      %eq3A_301 = arith.cmpi eq, %add3A_8, %eq3A_300 : vector<8x128xi32>
      %broadcast_in_dim3A_302 = vector.broadcast %scan3A_63 : i32 to vector<8x128xi32>
      %select_n3A_303 = arith.select %eq3A_301, %broadcast_in_dim3A_302, %scan3A_67 : vector<8x128xi1>, vector<8x128xi32>
      %get3A_304 = arith.constant 2 : index
      %get3A_305 = arith.index_cast %scan3A_63 : i32 to index
      %get3A_306 = arith.constant 0 : index
      %get3A_307 = vector.load %arg1[%get3A_304, %get3A_305, %get3A_306] : memref<4x8192x64xf32, #tpu.memory_space<vmem>>, vector<1x1x64xf32>
      %get3A_308 = vector.shape_cast %get3A_307 : vector<1x1x64xf32> to vector<1x64xf32>
      %swap3A_309 = arith.constant 2 : index
      %swap3A_310 = arith.index_cast %scan3A_56 : i32 to index
      %swap3A_311 = arith.constant 0 : index
      %swap3A_312 = vector.load %arg3[%swap3A_309, %swap3A_310, %swap3A_311] : memref<4x1024x64xf32, #tpu.memory_space<vmem>>, vector<1x1x64xf32>
      %swap3A_313 = vector.shape_cast %swap3A_312 : vector<1x1x64xf32> to vector<1x64xf32>
      %swap3A_314 = vector.shape_cast %get3A_308 : vector<1x64xf32> to vector<1x1x64xf32>
      tpu.vector_store %arg3[%swap3A_309, %swap3A_310, %swap3A_311], %swap3A_314 {strides = array<i32>} : memref<4x1024x64xf32, #tpu.memory_space<vmem>>, vector<1x1x64xf32>,
      %transpose3A_315 = tpu.transpose %get3A_308, [1, 0] : vector<1x64xf32> -> vector<64x1xf32>
      %get3A_316 = arith.constant 2 : index
      %get3A_317 = arith.constant 0 : index
      %get3A_318 = arith.constant 0 : index
      %get3A_319 = vector.load %arg0[%get3A_316, %get3A_317, %get3A_318] : memref<4x64x8192xf32, #tpu.memory_space<vmem>>, vector<1x64x1024xf32>
      %get3A_320 = vector.shape_cast %get3A_319 : vector<1x64x1024xf32> to vector<64x1024xf32>
      %sub3A_321 = vector.broadcast %transpose3A_315 : vector<64x1xf32> to vector<64x1024xf32>
      %sub3A_322 = arith.subf %get3A_320, %sub3A_321 : vector<64x1024xf32>
      %mul3A_323 = arith.mulf %sub3A_322, %sub3A_322 : vector<64x1024xf32>
      %reduce_sum3A_324 = arith.constant dense<0.000000e+00> : vector<1024xf32>
      %reduce_sum3A_325 = vector.multi_reduction <add>, %mul3A_323, %reduce_sum3A_324 [0] : vector<64x1024xf32> to vector<1024xf32>
      %broadcast_in_dim3A_326 = vector.shape_cast %reduce_sum3A_325 : vector<1024xf32> to vector<1x1024xf32>
      %get3A_327 = arith.constant 2 : index
      %get3A_328 = arith.constant 0 : index
      %get3A_329 = arith.constant 1024 : index
      %get3A_330 = vector.load %arg0[%get3A_327, %get3A_328, %get3A_329] : memref<4x64x8192xf32, #tpu.memory_space<vmem>>, vector<1x64x1024xf32>
      %get3A_331 = vector.shape_cast %get3A_330 : vector<1x64x1024xf32> to vector<64x1024xf32>
      %sub3A_332 = vector.broadcast %transpose3A_315 : vector<64x1xf32> to vector<64x1024xf32>
      %sub3A_333 = arith.subf %get3A_331, %sub3A_332 : vector<64x1024xf32>
      %mul3A_334 = arith.mulf %sub3A_333, %sub3A_333 : vector<64x1024xf32>
      %reduce_sum3A_335 = arith.constant dense<0.000000e+00> : vector<1024xf32>
      %reduce_sum3A_336 = vector.multi_reduction <add>, %mul3A_334, %reduce_sum3A_335 [0] : vector<64x1024xf32> to vector<1024xf32>
      %broadcast_in_dim3A_337 = vector.shape_cast %reduce_sum3A_336 : vector<1024xf32> to vector<1x1024xf32>
      %get3A_338 = arith.constant 2 : index
      %get3A_339 = arith.constant 0 : index
      %get3A_340 = arith.constant 2048 : index
      %get3A_341 = vector.load %arg0[%get3A_338, %get3A_339, %get3A_340] : memref<4x64x8192xf32, #tpu.memory_space<vmem>>, vector<1x64x1024xf32>
      %get3A_342 = vector.shape_cast %get3A_341 : vector<1x64x1024xf32> to vector<64x1024xf32>
      %sub3A_343 = vector.broadcast %transpose3A_315 : vector<64x1xf32> to vector<64x1024xf32>
      %sub3A_344 = arith.subf %get3A_342, %sub3A_343 : vector<64x1024xf32>
      %mul3A_345 = arith.mulf %sub3A_344, %sub3A_344 : vector<64x1024xf32>
      %reduce_sum3A_346 = arith.constant dense<0.000000e+00> : vector<1024xf32>
      %reduce_sum3A_347 = vector.multi_reduction <add>, %mul3A_345, %reduce_sum3A_346 [0] : vector<64x1024xf32> to vector<1024xf32>
      %broadcast_in_dim3A_348 = vector.shape_cast %reduce_sum3A_347 : vector<1024xf32> to vector<1x1024xf32>
      %get3A_349 = arith.constant 2 : index
      %get3A_350 = arith.constant 0 : index
      %get3A_351 = arith.constant 3072 : index
      %get3A_352 = vector.load %arg0[%get3A_349, %get3A_350, %get3A_351] : memref<4x64x8192xf32, #tpu.memory_space<vmem>>, vector<1x64x1024xf32>
      %get3A_353 = vector.shape_cast %get3A_352 : vector<1x64x1024xf32> to vector<64x1024xf32>
      %sub3A_354 = vector.broadcast %transpose3A_315 : vector<64x1xf32> to vector<64x1024xf32>
      %sub3A_355 = arith.subf %get3A_353, %sub3A_354 : vector<64x1024xf32>
      %mul3A_356 = arith.mulf %sub3A_355, %sub3A_355 : vector<64x1024xf32>
      %reduce_sum3A_357 = arith.constant dense<0.000000e+00> : vector<1024xf32>
      %reduce_sum3A_358 = vector.multi_reduction <add>, %mul3A_356, %reduce_sum3A_357 [0] : vector<64x1024xf32> to vector<1024xf32>
      %broadcast_in_dim3A_359 = vector.shape_cast %reduce_sum3A_358 : vector<1024xf32> to vector<1x1024xf32>
      %get3A_360 = arith.constant 2 : index
      %get3A_361 = arith.constant 0 : index
      %get3A_362 = arith.constant 4096 : index
      %get3A_363 = vector.load %arg0[%get3A_360, %get3A_361, %get3A_362] : memref<4x64x8192xf32, #tpu.memory_space<vmem>>, vector<1x64x1024xf32>
      %get3A_364 = vector.shape_cast %get3A_363 : vector<1x64x1024xf32> to vector<64x1024xf32>
      %sub3A_365 = vector.broadcast %transpose3A_315 : vector<64x1xf32> to vector<64x1024xf32>
      %sub3A_366 = arith.subf %get3A_364, %sub3A_365 : vector<64x1024xf32>
      %mul3A_367 = arith.mulf %sub3A_366, %sub3A_366 : vector<64x1024xf32>
      %reduce_sum3A_368 = arith.constant dense<0.000000e+00> : vector<1024xf32>
      %reduce_sum3A_369 = vector.multi_reduction <add>, %mul3A_367, %reduce_sum3A_368 [0] : vector<64x1024xf32> to vector<1024xf32>
      %broadcast_in_dim3A_370 = vector.shape_cast %reduce_sum3A_369 : vector<1024xf32> to vector<1x1024xf32>
      %get3A_371 = arith.constant 2 : index
      %get3A_372 = arith.constant 0 : index
      %get3A_373 = arith.constant 5120 : index
      %get3A_374 = vector.load %arg0[%get3A_371, %get3A_372, %get3A_373] : memref<4x64x8192xf32, #tpu.memory_space<vmem>>, vector<1x64x1024xf32>
      %get3A_375 = vector.shape_cast %get3A_374 : vector<1x64x1024xf32> to vector<64x1024xf32>
      %sub3A_376 = vector.broadcast %transpose3A_315 : vector<64x1xf32> to vector<64x1024xf32>
      %sub3A_377 = arith.subf %get3A_375, %sub3A_376 : vector<64x1024xf32>
      %mul3A_378 = arith.mulf %sub3A_377, %sub3A_377 : vector<64x1024xf32>
      %reduce_sum3A_379 = arith.constant dense<0.000000e+00> : vector<1024xf32>
      %reduce_sum3A_380 = vector.multi_reduction <add>, %mul3A_378, %reduce_sum3A_379 [0] : vector<64x1024xf32> to vector<1024xf32>
      %broadcast_in_dim3A_381 = vector.shape_cast %reduce_sum3A_380 : vector<1024xf32> to vector<1x1024xf32>
      %get3A_382 = arith.constant 2 : index
      %get3A_383 = arith.constant 0 : index
      %get3A_384 = arith.constant 6144 : index
      %get3A_385 = vector.load %arg0[%get3A_382, %get3A_383, %get3A_384] : memref<4x64x8192xf32, #tpu.memory_space<vmem>>, vector<1x64x1024xf32>
      %get3A_386 = vector.shape_cast %get3A_385 : vector<1x64x1024xf32> to vector<64x1024xf32>
      %sub3A_387 = vector.broadcast %transpose3A_315 : vector<64x1xf32> to vector<64x1024xf32>
      %sub3A_388 = arith.subf %get3A_386, %sub3A_387 : vector<64x1024xf32>
      %mul3A_389 = arith.mulf %sub3A_388, %sub3A_388 : vector<64x1024xf32>
      %reduce_sum3A_390 = arith.constant dense<0.000000e+00> : vector<1024xf32>
      %reduce_sum3A_391 = vector.multi_reduction <add>, %mul3A_389, %reduce_sum3A_390 [0] : vector<64x1024xf32> to vector<1024xf32>
      %broadcast_in_dim3A_392 = vector.shape_cast %reduce_sum3A_391 : vector<1024xf32> to vector<1x1024xf32>
      %get3A_393 = arith.constant 2 : index
      %get3A_394 = arith.constant 0 : index
      %get3A_395 = arith.constant 7168 : index
      %get3A_396 = vector.load %arg0[%get3A_393, %get3A_394, %get3A_395] : memref<4x64x8192xf32, #tpu.memory_space<vmem>>, vector<1x64x1024xf32>
      %get3A_397 = vector.shape_cast %get3A_396 : vector<1x64x1024xf32> to vector<64x1024xf32>
      %sub3A_398 = vector.broadcast %transpose3A_315 : vector<64x1xf32> to vector<64x1024xf32>
      %sub3A_399 = arith.subf %get3A_397, %sub3A_398 : vector<64x1024xf32>
      %mul3A_400 = arith.mulf %sub3A_399, %sub3A_399 : vector<64x1024xf32>
      %reduce_sum3A_401 = arith.constant dense<0.000000e+00> : vector<1024xf32>
      %reduce_sum3A_402 = vector.multi_reduction <add>, %mul3A_400, %reduce_sum3A_401 [0] : vector<64x1024xf32> to vector<1024xf32>
      %broadcast_in_dim3A_403 = vector.shape_cast %reduce_sum3A_402 : vector<1024xf32> to vector<1x1024xf32>
      %concatenate3A_404 = tpu.concatenate %broadcast_in_dim3A_326, %broadcast_in_dim3A_337, %broadcast_in_dim3A_348, %broadcast_in_dim3A_359, %broadcast_in_dim3A_370, %broadcast_in_dim3A_381, %broadcast_in_dim3A_392, %broadcast_in_dim3A_403 in 0 : vector<1x1024xf32>, vector<1x1024xf32>, vector<1x1024xf32>, vector<1x1024xf32>, vector<1x1024xf32>, vector<1x1024xf32>, vector<1x1024xf32>, vector<1x1024xf32> -> vector<8x1024xf32>
      %min3A_405 = arith.minimumf %scan3A_59, %concatenate3A_404 : vector<8x1024xf32>
      %reduce_max3A_406 = vector.shape_cast %min3A_405 : vector<8x1024xf32> to vector<1x8x1024xf32>
      %reduce_max3A_407 = arith.constant dense<0xFF800000> : vector<1xf32>
      %reduce_max3A_408 = vector.multi_reduction <maximumf>, %reduce_max3A_406, %reduce_max3A_407 [1, 2] : vector<1x8x1024xf32> to vector<1xf32>
      %reduce_max3A_409 = vector.shape_cast %reduce_max3A_408 : vector<1xf32> to vector<1x1x1xf32>
      %reduce_max3A_410 = vector.extract %reduce_max3A_409[0, 0, 0] : f32 from vector<1x1x1xf32>
      %eq3A_411 = vector.broadcast %reduce_max3A_410 : f32 to vector<8x1024xf32>
      %eq3A_412 = arith.cmpf oeq, %min3A_405, %eq3A_411 : vector<8x1024xf32>
      %jit3A_413 = arith.constant 8192 : i32
      %broadcast_in_dim3A_414 = vector.broadcast %jit3A_413 : i32 to vector<8x1024xi32>
      %select_n3A_415 = arith.select %eq3A_412, %add3A, %broadcast_in_dim3A_414 : vector<8x1024xi1>, vector<8x1024xi32>
      %reduce_min3A_416 = vector.shape_cast %select_n3A_415 : vector<8x1024xi32> to vector<1x8x1024xi32>
      %reduce_min3A_417 = arith.constant dense<2147483647> : vector<1xi32>
      %reduce_min3A_418 = vector.multi_reduction <minsi>, %reduce_min3A_416, %reduce_min3A_417 [1, 2] : vector<1x8x1024xi32> to vector<1xi32>
      %reduce_min3A_419 = vector.shape_cast %reduce_min3A_418 : vector<1xi32> to vector<1x1x1xi32>
      %reduce_min3A_420 = vector.extract %reduce_min3A_419[0, 0, 0] : i32 from vector<1x1x1xi32>
      %eq3A_421 = vector.broadcast %scan3A_56 : i32 to vector<8x128xi32>
      %eq3A_422 = arith.cmpi eq, %add3A_8, %eq3A_421 : vector<8x128xi32>
      %broadcast_in_dim3A_423 = vector.broadcast %scan3A_64 : i32 to vector<8x128xi32>
      %select_n3A_424 = arith.select %eq3A_422, %broadcast_in_dim3A_423, %scan3A_68 : vector<8x128xi1>, vector<8x128xi32>
      %get3A_425 = arith.constant 3 : index
      %get3A_426 = arith.index_cast %scan3A_64 : i32 to index
      %get3A_427 = arith.constant 0 : index
      %get3A_428 = vector.load %arg1[%get3A_425, %get3A_426, %get3A_427] : memref<4x8192x64xf32, #tpu.memory_space<vmem>>, vector<1x1x64xf32>
      %get3A_429 = vector.shape_cast %get3A_428 : vector<1x1x64xf32> to vector<1x64xf32>
      %swap3A_430 = arith.constant 3 : index
      %swap3A_431 = arith.index_cast %scan3A_56 : i32 to index
      %swap3A_432 = arith.constant 0 : index
      %swap3A_433 = vector.load %arg3[%swap3A_430, %swap3A_431, %swap3A_432] : memref<4x1024x64xf32, #tpu.memory_space<vmem>>, vector<1x1x64xf32>
      %swap3A_434 = vector.shape_cast %swap3A_433 : vector<1x1x64xf32> to vector<1x64xf32>
      %swap3A_435 = vector.shape_cast %get3A_429 : vector<1x64xf32> to vector<1x1x64xf32>
      tpu.vector_store %arg3[%swap3A_430, %swap3A_431, %swap3A_432], %swap3A_435 {strides = array<i32>} : memref<4x1024x64xf32, #tpu.memory_space<vmem>>, vector<1x1x64xf32>,
      %transpose3A_436 = tpu.transpose %get3A_429, [1, 0] : vector<1x64xf32> -> vector<64x1xf32>
      %get3A_437 = arith.constant 3 : index
      %get3A_438 = arith.constant 0 : index
      %get3A_439 = arith.constant 0 : index
      %get3A_440 = vector.load %arg0[%get3A_437, %get3A_438, %get3A_439] : memref<4x64x8192xf32, #tpu.memory_space<vmem>>, vector<1x64x1024xf32>
      %get3A_441 = vector.shape_cast %get3A_440 : vector<1x64x1024xf32> to vector<64x1024xf32>
      %sub3A_442 = vector.broadcast %transpose3A_436 : vector<64x1xf32> to vector<64x1024xf32>
      %sub3A_443 = arith.subf %get3A_441, %sub3A_442 : vector<64x1024xf32>
      %mul3A_444 = arith.mulf %sub3A_443, %sub3A_443 : vector<64x1024xf32>
      %reduce_sum3A_445 = arith.constant dense<0.000000e+00> : vector<1024xf32>
      %reduce_sum3A_446 = vector.multi_reduction <add>, %mul3A_444, %reduce_sum3A_445 [0] : vector<64x1024xf32> to vector<1024xf32>
      %broadcast_in_dim3A_447 = vector.shape_cast %reduce_sum3A_446 : vector<1024xf32> to vector<1x1024xf32>
      %get3A_448 = arith.constant 3 : index
      %get3A_449 = arith.constant 0 : index
      %get3A_450 = arith.constant 1024 : index
      %get3A_451 = vector.load %arg0[%get3A_448, %get3A_449, %get3A_450] : memref<4x64x8192xf32, #tpu.memory_space<vmem>>, vector<1x64x1024xf32>
      %get3A_452 = vector.shape_cast %get3A_451 : vector<1x64x1024xf32> to vector<64x1024xf32>
      %sub3A_453 = vector.broadcast %transpose3A_436 : vector<64x1xf32> to vector<64x1024xf32>
      %sub3A_454 = arith.subf %get3A_452, %sub3A_453 : vector<64x1024xf32>
      %mul3A_455 = arith.mulf %sub3A_454, %sub3A_454 : vector<64x1024xf32>
      %reduce_sum3A_456 = arith.constant dense<0.000000e+00> : vector<1024xf32>
      %reduce_sum3A_457 = vector.multi_reduction <add>, %mul3A_455, %reduce_sum3A_456 [0] : vector<64x1024xf32> to vector<1024xf32>
      %broadcast_in_dim3A_458 = vector.shape_cast %reduce_sum3A_457 : vector<1024xf32> to vector<1x1024xf32>
      %get3A_459 = arith.constant 3 : index
      %get3A_460 = arith.constant 0 : index
      %get3A_461 = arith.constant 2048 : index
      %get3A_462 = vector.load %arg0[%get3A_459, %get3A_460, %get3A_461] : memref<4x64x8192xf32, #tpu.memory_space<vmem>>, vector<1x64x1024xf32>
      %get3A_463 = vector.shape_cast %get3A_462 : vector<1x64x1024xf32> to vector<64x1024xf32>
      %sub3A_464 = vector.broadcast %transpose3A_436 : vector<64x1xf32> to vector<64x1024xf32>
      %sub3A_465 = arith.subf %get3A_463, %sub3A_464 : vector<64x1024xf32>
      %mul3A_466 = arith.mulf %sub3A_465, %sub3A_465 : vector<64x1024xf32>
      %reduce_sum3A_467 = arith.constant dense<0.000000e+00> : vector<1024xf32>
      %reduce_sum3A_468 = vector.multi_reduction <add>, %mul3A_466, %reduce_sum3A_467 [0] : vector<64x1024xf32> to vector<1024xf32>
      %broadcast_in_dim3A_469 = vector.shape_cast %reduce_sum3A_468 : vector<1024xf32> to vector<1x1024xf32>
      %get3A_470 = arith.constant 3 : index
      %get3A_471 = arith.constant 0 : index
      %get3A_472 = arith.constant 3072 : index
      %get3A_473 = vector.load %arg0[%get3A_470, %get3A_471, %get3A_472] : memref<4x64x8192xf32, #tpu.memory_space<vmem>>, vector<1x64x1024xf32>
      %get3A_474 = vector.shape_cast %get3A_473 : vector<1x64x1024xf32> to vector<64x1024xf32>
      %sub3A_475 = vector.broadcast %transpose3A_436 : vector<64x1xf32> to vector<64x1024xf32>
      %sub3A_476 = arith.subf %get3A_474, %sub3A_475 : vector<64x1024xf32>
      %mul3A_477 = arith.mulf %sub3A_476, %sub3A_476 : vector<64x1024xf32>
      %reduce_sum3A_478 = arith.constant dense<0.000000e+00> : vector<1024xf32>
      %reduce_sum3A_479 = vector.multi_reduction <add>, %mul3A_477, %reduce_sum3A_478 [0] : vector<64x1024xf32> to vector<1024xf32>
      %broadcast_in_dim3A_480 = vector.shape_cast %reduce_sum3A_479 : vector<1024xf32> to vector<1x1024xf32>
      %get3A_481 = arith.constant 3 : index
      %get3A_482 = arith.constant 0 : index
      %get3A_483 = arith.constant 4096 : index
      %get3A_484 = vector.load %arg0[%get3A_481, %get3A_482, %get3A_483] : memref<4x64x8192xf32, #tpu.memory_space<vmem>>, vector<1x64x1024xf32>
      %get3A_485 = vector.shape_cast %get3A_484 : vector<1x64x1024xf32> to vector<64x1024xf32>
      %sub3A_486 = vector.broadcast %transpose3A_436 : vector<64x1xf32> to vector<64x1024xf32>
      %sub3A_487 = arith.subf %get3A_485, %sub3A_486 : vector<64x1024xf32>
      %mul3A_488 = arith.mulf %sub3A_487, %sub3A_487 : vector<64x1024xf32>
      %reduce_sum3A_489 = arith.constant dense<0.000000e+00> : vector<1024xf32>
      %reduce_sum3A_490 = vector.multi_reduction <add>, %mul3A_488, %reduce_sum3A_489 [0] : vector<64x1024xf32> to vector<1024xf32>
      %broadcast_in_dim3A_491 = vector.shape_cast %reduce_sum3A_490 : vector<1024xf32> to vector<1x1024xf32>
      %get3A_492 = arith.constant 3 : index
      %get3A_493 = arith.constant 0 : index
      %get3A_494 = arith.constant 5120 : index
      %get3A_495 = vector.load %arg0[%get3A_492, %get3A_493, %get3A_494] : memref<4x64x8192xf32, #tpu.memory_space<vmem>>, vector<1x64x1024xf32>
      %get3A_496 = vector.shape_cast %get3A_495 : vector<1x64x1024xf32> to vector<64x1024xf32>
      %sub3A_497 = vector.broadcast %transpose3A_436 : vector<64x1xf32> to vector<64x1024xf32>
      %sub3A_498 = arith.subf %get3A_496, %sub3A_497 : vector<64x1024xf32>
      %mul3A_499 = arith.mulf %sub3A_498, %sub3A_498 : vector<64x1024xf32>
      %reduce_sum3A_500 = arith.constant dense<0.000000e+00> : vector<1024xf32>
      %reduce_sum3A_501 = vector.multi_reduction <add>, %mul3A_499, %reduce_sum3A_500 [0] : vector<64x1024xf32> to vector<1024xf32>
      %broadcast_in_dim3A_502 = vector.shape_cast %reduce_sum3A_501 : vector<1024xf32> to vector<1x1024xf32>
      %get3A_503 = arith.constant 3 : index
      %get3A_504 = arith.constant 0 : index
      %get3A_505 = arith.constant 6144 : index
      %get3A_506 = vector.load %arg0[%get3A_503, %get3A_504, %get3A_505] : memref<4x64x8192xf32, #tpu.memory_space<vmem>>, vector<1x64x1024xf32>
      %get3A_507 = vector.shape_cast %get3A_506 : vector<1x64x1024xf32> to vector<64x1024xf32>
      %sub3A_508 = vector.broadcast %transpose3A_436 : vector<64x1xf32> to vector<64x1024xf32>
      %sub3A_509 = arith.subf %get3A_507, %sub3A_508 : vector<64x1024xf32>
      %mul3A_510 = arith.mulf %sub3A_509, %sub3A_509 : vector<64x1024xf32>
      %reduce_sum3A_511 = arith.constant dense<0.000000e+00> : vector<1024xf32>
      %reduce_sum3A_512 = vector.multi_reduction <add>, %mul3A_510, %reduce_sum3A_511 [0] : vector<64x1024xf32> to vector<1024xf32>
      %broadcast_in_dim3A_513 = vector.shape_cast %reduce_sum3A_512 : vector<1024xf32> to vector<1x1024xf32>
      %get3A_514 = arith.constant 3 : index
      %get3A_515 = arith.constant 0 : index
      %get3A_516 = arith.constant 7168 : index
      %get3A_517 = vector.load %arg0[%get3A_514, %get3A_515, %get3A_516] : memref<4x64x8192xf32, #tpu.memory_space<vmem>>, vector<1x64x1024xf32>
      %get3A_518 = vector.shape_cast %get3A_517 : vector<1x64x1024xf32> to vector<64x1024xf32>
      %sub3A_519 = vector.broadcast %transpose3A_436 : vector<64x1xf32> to vector<64x1024xf32>
      %sub3A_520 = arith.subf %get3A_518, %sub3A_519 : vector<64x1024xf32>
      %mul3A_521 = arith.mulf %sub3A_520, %sub3A_520 : vector<64x1024xf32>
      %reduce_sum3A_522 = arith.constant dense<0.000000e+00> : vector<1024xf32>
      %reduce_sum3A_523 = vector.multi_reduction <add>, %mul3A_521, %reduce_sum3A_522 [0] : vector<64x1024xf32> to vector<1024xf32>
      %broadcast_in_dim3A_524 = vector.shape_cast %reduce_sum3A_523 : vector<1024xf32> to vector<1x1024xf32>
      %concatenate3A_525 = tpu.concatenate %broadcast_in_dim3A_447, %broadcast_in_dim3A_458, %broadcast_in_dim3A_469, %broadcast_in_dim3A_480, %broadcast_in_dim3A_491, %broadcast_in_dim3A_502, %broadcast_in_dim3A_513, %broadcast_in_dim3A_524 in 0 : vector<1x1024xf32>, vector<1x1024xf32>, vector<1x1024xf32>, vector<1x1024xf32>, vector<1x1024xf32>, vector<1x1024xf32>, vector<1x1024xf32>, vector<1x1024xf32> -> vector<8x1024xf32>
      %min3A_526 = arith.minimumf %scan3A_60, %concatenate3A_525 : vector<8x1024xf32>
      %reduce_max3A_527 = vector.shape_cast %min3A_526 : vector<8x1024xf32> to vector<1x8x1024xf32>
      %reduce_max3A_528 = arith.constant dense<0xFF800000> : vector<1xf32>
      %reduce_max3A_529 = vector.multi_reduction <maximumf>, %reduce_max3A_527, %reduce_max3A_528 [1, 2] : vector<1x8x1024xf32> to vector<1xf32>
      %reduce_max3A_530 = vector.shape_cast %reduce_max3A_529 : vector<1xf32> to vector<1x1x1xf32>
      %reduce_max3A_531 = vector.extract %reduce_max3A_530[0, 0, 0] : f32 from vector<1x1x1xf32>
      %eq3A_532 = vector.broadcast %reduce_max3A_531 : f32 to vector<8x1024xf32>
      %eq3A_533 = arith.cmpf oeq, %min3A_526, %eq3A_532 : vector<8x1024xf32>
      %jit3A_534 = arith.constant 8192 : i32
      %broadcast_in_dim3A_535 = vector.broadcast %jit3A_534 : i32 to vector<8x1024xi32>
      %select_n3A_536 = arith.select %eq3A_533, %add3A, %broadcast_in_dim3A_535 : vector<8x1024xi1>, vector<8x1024xi32>
      %reduce_min3A_537 = vector.shape_cast %select_n3A_536 : vector<8x1024xi32> to vector<1x8x1024xi32>
      %reduce_min3A_538 = arith.constant dense<2147483647> : vector<1xi32>
      %reduce_min3A_539 = vector.multi_reduction <minsi>, %reduce_min3A_537, %reduce_min3A_538 [1, 2] : vector<1x8x1024xi32> to vector<1xi32>
      %reduce_min3A_540 = vector.shape_cast %reduce_min3A_539 : vector<1xi32> to vector<1x1x1xi32>
      %reduce_min3A_541 = vector.extract %reduce_min3A_540[0, 0, 0] : i32 from vector<1x1x1xi32>
      scf.yield %min3A, %min3A_284, %min3A_405, %min3A_526, %reduce_min3A_178, %reduce_min3A_299, %reduce_min3A_420, %reduce_min3A_541, %select_n3A, %select_n3A_182, %select_n3A_303, %select_n3A_424 : vector<8x1024xf32>, vector<8x1024xf32>, vector<8x1024xf32>, vector<8x1024xf32>, i32, i32, i32, i32, vector<8x128xi32>, vector<8x128xi32>, vector<8x128xi32>, vector<8x128xi32>
    }
    %scan3A_32 = arith.constant 1024 : i32
    %swap3A = arith.constant 0 : index
    %swap3A_33 = arith.constant 0 : index
    %swap3A_34 = arith.constant 0 : index
    %swap3A_35 = vector.load %arg2[%swap3A, %swap3A_33, %swap3A_34] : memref<4x8x128xi32, #tpu.memory_space<vmem>>, vector<1x8x128xi32>
    %swap3A_36 = vector.shape_cast %swap3A_35 : vector<1x8x128xi32> to vector<8x128xi32>
    %swap3A_37 = vector.shape_cast %scan3A_31#8 : vector<8x128xi32> to vector<1x8x128xi32>
    tpu.vector_store %arg2[%swap3A, %swap3A_33, %swap3A_34], %swap3A_37 {strides = array<i32>} : memref<4x8x128xi32, #tpu.memory_space<vmem>>, vector<1x8x128xi32>,
    %swap3A_38 = arith.constant 1 : index
    %swap3A_39 = arith.constant 0 : index
    %swap3A_40 = arith.constant 0 : index
    %swap3A_41 = vector.load %arg2[%swap3A_38, %swap3A_39, %swap3A_40] : memref<4x8x128xi32, #tpu.memory_space<vmem>>, vector<1x8x128xi32>
    %swap3A_42 = vector.shape_cast %swap3A_41 : vector<1x8x128xi32> to vector<8x128xi32>
    %swap3A_43 = vector.shape_cast %scan3A_31#9 : vector<8x128xi32> to vector<1x8x128xi32>
    tpu.vector_store %arg2[%swap3A_38, %swap3A_39, %swap3A_40], %swap3A_43 {strides = array<i32>} : memref<4x8x128xi32, #tpu.memory_space<vmem>>, vector<1x8x128xi32>,
    %swap3A_44 = arith.constant 2 : index
    %swap3A_45 = arith.constant 0 : index
    %swap3A_46 = arith.constant 0 : index
    %swap3A_47 = vector.load %arg2[%swap3A_44, %swap3A_45, %swap3A_46] : memref<4x8x128xi32, #tpu.memory_space<vmem>>, vector<1x8x128xi32>
    %swap3A_48 = vector.shape_cast %swap3A_47 : vector<1x8x128xi32> to vector<8x128xi32>
    %swap3A_49 = vector.shape_cast %scan3A_31#10 : vector<8x128xi32> to vector<1x8x128xi32>
    tpu.vector_store %arg2[%swap3A_44, %swap3A_45, %swap3A_46], %swap3A_49 {strides = array<i32>} : memref<4x8x128xi32, #tpu.memory_space<vmem>>, vector<1x8x128xi32>,
    %swap3A_50 = arith.constant 3 : index
    %swap3A_51 = arith.constant 0 : index
    %swap3A_52 = arith.constant 0 : index
    %swap3A_53 = vector.load %arg2[%swap3A_50, %swap3A_51, %swap3A_52] : memref<4x8x128xi32, #tpu.memory_space<vmem>>, vector<1x8x128xi32>
    %swap3A_54 = vector.shape_cast %swap3A_53 : vector<1x8x128xi32> to vector<8x128xi32>
    %swap3A_55 = vector.shape_cast %scan3A_31#11 : vector<8x128xi32> to vector<1x8x128xi32>
    tpu.vector_store %arg2[%swap3A_50, %swap3A_51, %swap3A_52], %swap3A_55 {strides = array<i32>} : memref<4x8x128xi32, #tpu.memory_space<vmem>>, vector<1x8x128xi32>,
    return
  }
}

module attributes {stable_mosaic.version = 14 : i64} {
  func.func @_ec_body(%arg0: i32, %arg1: i32, %arg2: memref<1x1x2048x64xf32, #tpu.memory_space<vmem>>, %arg3: memref<1x128x64xf32, #tpu.memory_space<vmem>>, %arg4: memref<64x128xf32, #tpu.memory_space<vmem>>, %arg5: memref<1x64xf32, #tpu.memory_space<vmem>>, %arg6: memref<64x64xf32, #tpu.memory_space<vmem>>, %arg7: memref<1x64xf32, #tpu.memory_space<vmem>>, %arg8: memref<1x128x64xf32, #tpu.memory_space<vmem>>) attributes {dimension_semantics = [#tpu.dimension_semantics<arbitrary>, #tpu.dimension_semantics<arbitrary>], iteration_bounds = array<i64: 4, 8>, scalar_prefetch = 0 : i64, scratch_operands = 0 : i64, tpu.core_type = #tpu.core_type<tc>, window_params = [{transform_indices = @transform_0, window_bounds = array<i64: 1, 1, 2048, 64>}, {transform_indices = @transform_1, window_bounds = array<i64: 1, 128, 64>}, {pipeline_mode = #tpu.pipeline_mode<synchronous>, transform_indices = @transform_2, window_bounds = array<i64: 64, 128>}, {pipeline_mode = #tpu.pipeline_mode<synchronous>, transform_indices = @transform_3, window_bounds = array<i64: 1, 64>}, {pipeline_mode = #tpu.pipeline_mode<synchronous>, transform_indices = @transform_4, window_bounds = array<i64: 64, 64>}, {pipeline_mode = #tpu.pipeline_mode<synchronous>, transform_indices = @transform_5, window_bounds = array<i64: 1, 64>}, {transform_indices = @transform_6, window_bounds = array<i64: 1, 128, 64>}]} {
    %get3A = arith.constant 0 : index
    %get3A_0 = arith.constant 0 : index
    %get3A_1 = vector.load %arg4[%get3A, %get3A_0] : memref<64x128xf32, #tpu.memory_space<vmem>>, vector<64x128xf32>
    %slice3A = vector.extract_strided_slice %get3A_1 {offsets = [0, 0], sizes = [64, 64], strides = [1, 1]} : vector<64x128xf32> to vector<64x64xf32>
    %slice3A_2 = vector.extract_strided_slice %get3A_1 {offsets = [0, 64], sizes = [64, 64], strides = [1, 1]} : vector<64x128xf32> to vector<64x64xf32>
    %sub3A = arith.subf %slice3A, %slice3A_2 : vector<64x64xf32>
    %get3A_3 = arith.constant 0 : index
    %get3A_4 = arith.constant 0 : index
    %get3A_5 = arith.constant 0 : index
    %get3A_6 = vector.load %arg3[%get3A_3, %get3A_4, %get3A_5] : memref<1x128x64xf32, #tpu.memory_space<vmem>>, vector<1x128x64xf32>
    %get3A_7 = vector.shape_cast %get3A_6 : vector<1x128x64xf32> to vector<128x64xf32>
    %dot_general3A = arith.constant dense<0.000000e+00> : vector<128x64xf32>
    %dot_general3A_8 = tpu.matmul %get3A_7, %sub3A, %dot_general3A {dimension_numbers = #tpu.dot_dimension_numbers<[1], [1], [0], [0], [0, 0, 1, 0], [], []>, transpose_lhs_hint = false} : vector<128x64xf32>, vector<64x64xf32>, vector<128x64xf32> -> vector<128x64xf32>
    %get3A_9 = arith.constant 0 : index
    %get3A_10 = arith.constant 0 : index
    %get3A_11 = vector.load %arg5[%get3A_9, %get3A_10] : memref<1x64xf32, #tpu.memory_space<vmem>>, vector<1x64xf32>
    %add3A = vector.broadcast %get3A_11 : vector<1x64xf32> to vector<128x64xf32>
    %add3A_12 = arith.addf %dot_general3A_8, %add3A : vector<128x64xf32>
    %get3A_13 = arith.constant 0 : index
    %get3A_14 = arith.constant 0 : index
    %get3A_15 = arith.constant 0 : index
    %get3A_16 = arith.constant 0 : index
    %get3A_17 = vector.load %arg2[%get3A_13, %get3A_14, %get3A_15, %get3A_16] : memref<1x1x2048x64xf32, #tpu.memory_space<vmem>>, vector<1x1x2048x64xf32>
    %get3A_18 = vector.shape_cast %get3A_17 : vector<1x1x2048x64xf32> to vector<2048x64xf32>
    %dot_general3A_19 = arith.constant dense<0.000000e+00> : vector<2048x64xf32>
    %dot_general3A_20 = tpu.matmul %get3A_18, %slice3A_2, %dot_general3A_19 {dimension_numbers = #tpu.dot_dimension_numbers<[1], [1], [0], [0], [0, 0, 1, 0], [], []>, transpose_lhs_hint = false} : vector<2048x64xf32>, vector<64x64xf32>, vector<2048x64xf32> -> vector<2048x64xf32>
    %concatenate3A = tpu.concatenate %add3A_12, %add3A_12, %add3A_12, %add3A_12, %add3A_12, %add3A_12, %add3A_12, %add3A_12, %add3A_12, %add3A_12, %add3A_12, %add3A_12, %add3A_12, %add3A_12, %add3A_12, %add3A_12 in 0 : vector<128x64xf32>, vector<128x64xf32>, vector<128x64xf32>, vector<128x64xf32>, vector<128x64xf32>, vector<128x64xf32>, vector<128x64xf32>, vector<128x64xf32>, vector<128x64xf32>, vector<128x64xf32>, vector<128x64xf32>, vector<128x64xf32>, vector<128x64xf32>, vector<128x64xf32>, vector<128x64xf32>, vector<128x64xf32> -> vector<2048x64xf32>
    %add3A_21 = arith.addf %dot_general3A_20, %concatenate3A : vector<2048x64xf32>
    %ge3A = arith.constant 0.000000e+00 : f32
    %ge3A_22 = vector.broadcast %ge3A : f32 to vector<2048x64xf32>
    %ge3A_23 = arith.cmpf oge, %add3A_21, %ge3A_22 : vector<2048x64xf32>
    %mul3A = arith.constant 2.000000e-01 : f32
    %mul3A_24 = vector.broadcast %mul3A : f32 to vector<2048x64xf32>
    %mul3A_25 = arith.mulf %mul3A_24, %add3A_21 : vector<2048x64xf32>
    %select_n3A = arith.select %ge3A_23, %add3A_21, %mul3A_25 : vector<2048x64xi1>, vector<2048x64xf32>
    %get3A_26 = arith.constant 0 : index
    %get3A_27 = arith.constant 0 : index
    %get3A_28 = vector.load %arg6[%get3A_26, %get3A_27] : memref<64x64xf32, #tpu.memory_space<vmem>>, vector<64x64xf32>
    %dot_general3A_29 = arith.constant dense<0.000000e+00> : vector<2048x64xf32>
    %dot_general3A_30 = tpu.matmul %select_n3A, %get3A_28, %dot_general3A_29 {dimension_numbers = #tpu.dot_dimension_numbers<[1], [1], [0], [0], [0, 0, 1, 0], [], []>, transpose_lhs_hint = false} : vector<2048x64xf32>, vector<64x64xf32>, vector<2048x64xf32> -> vector<2048x64xf32>
    %get3A_31 = arith.constant 0 : index
    %get3A_32 = arith.constant 0 : index
    %get3A_33 = vector.load %arg7[%get3A_31, %get3A_32] : memref<1x64xf32, #tpu.memory_space<vmem>>, vector<1x64xf32>
    %add3A_34 = vector.broadcast %get3A_33 : vector<1x64xf32> to vector<2048x64xf32>
    %add3A_35 = arith.addf %dot_general3A_30, %add3A_34 : vector<2048x64xf32>
    %ge3A_36 = arith.constant 0.000000e+00 : f32
    %ge3A_37 = vector.broadcast %ge3A_36 : f32 to vector<2048x64xf32>
    %ge3A_38 = arith.cmpf oge, %add3A_35, %ge3A_37 : vector<2048x64xf32>
    %mul3A_39 = arith.constant 2.000000e-01 : f32
    %mul3A_40 = vector.broadcast %mul3A_39 : f32 to vector<2048x64xf32>
    %mul3A_41 = arith.mulf %mul3A_40, %add3A_35 : vector<2048x64xf32>
    %select_n3A_42 = arith.select %ge3A_38, %add3A_35, %mul3A_41 : vector<2048x64xi1>, vector<2048x64xf32>
    %slice3A_43 = vector.extract_strided_slice %select_n3A_42 {offsets = [0, 0], sizes = [128, 64], strides = [1, 1]} : vector<2048x64xf32> to vector<128x64xf32>
    %slice3A_44 = vector.extract_strided_slice %select_n3A_42 {offsets = [128, 0], sizes = [128, 64], strides = [1, 1]} : vector<2048x64xf32> to vector<128x64xf32>
    %max3A = arith.maximumf %slice3A_43, %slice3A_44 : vector<128x64xf32>
    %slice3A_45 = vector.extract_strided_slice %select_n3A_42 {offsets = [256, 0], sizes = [128, 64], strides = [1, 1]} : vector<2048x64xf32> to vector<128x64xf32>
    %max3A_46 = arith.maximumf %max3A, %slice3A_45 : vector<128x64xf32>
    %slice3A_47 = vector.extract_strided_slice %select_n3A_42 {offsets = [384, 0], sizes = [128, 64], strides = [1, 1]} : vector<2048x64xf32> to vector<128x64xf32>
    %max3A_48 = arith.maximumf %max3A_46, %slice3A_47 : vector<128x64xf32>
    %slice3A_49 = vector.extract_strided_slice %select_n3A_42 {offsets = [512, 0], sizes = [128, 64], strides = [1, 1]} : vector<2048x64xf32> to vector<128x64xf32>
    %max3A_50 = arith.maximumf %max3A_48, %slice3A_49 : vector<128x64xf32>
    %slice3A_51 = vector.extract_strided_slice %select_n3A_42 {offsets = [640, 0], sizes = [128, 64], strides = [1, 1]} : vector<2048x64xf32> to vector<128x64xf32>
    %max3A_52 = arith.maximumf %max3A_50, %slice3A_51 : vector<128x64xf32>
    %slice3A_53 = vector.extract_strided_slice %select_n3A_42 {offsets = [768, 0], sizes = [128, 64], strides = [1, 1]} : vector<2048x64xf32> to vector<128x64xf32>
    %max3A_54 = arith.maximumf %max3A_52, %slice3A_53 : vector<128x64xf32>
    %slice3A_55 = vector.extract_strided_slice %select_n3A_42 {offsets = [896, 0], sizes = [128, 64], strides = [1, 1]} : vector<2048x64xf32> to vector<128x64xf32>
    %max3A_56 = arith.maximumf %max3A_54, %slice3A_55 : vector<128x64xf32>
    %slice3A_57 = vector.extract_strided_slice %select_n3A_42 {offsets = [1024, 0], sizes = [128, 64], strides = [1, 1]} : vector<2048x64xf32> to vector<128x64xf32>
    %max3A_58 = arith.maximumf %max3A_56, %slice3A_57 : vector<128x64xf32>
    %slice3A_59 = vector.extract_strided_slice %select_n3A_42 {offsets = [1152, 0], sizes = [128, 64], strides = [1, 1]} : vector<2048x64xf32> to vector<128x64xf32>
    %max3A_60 = arith.maximumf %max3A_58, %slice3A_59 : vector<128x64xf32>
    %slice3A_61 = vector.extract_strided_slice %select_n3A_42 {offsets = [1280, 0], sizes = [128, 64], strides = [1, 1]} : vector<2048x64xf32> to vector<128x64xf32>
    %max3A_62 = arith.maximumf %max3A_60, %slice3A_61 : vector<128x64xf32>
    %slice3A_63 = vector.extract_strided_slice %select_n3A_42 {offsets = [1408, 0], sizes = [128, 64], strides = [1, 1]} : vector<2048x64xf32> to vector<128x64xf32>
    %max3A_64 = arith.maximumf %max3A_62, %slice3A_63 : vector<128x64xf32>
    %slice3A_65 = vector.extract_strided_slice %select_n3A_42 {offsets = [1536, 0], sizes = [128, 64], strides = [1, 1]} : vector<2048x64xf32> to vector<128x64xf32>
    %max3A_66 = arith.maximumf %max3A_64, %slice3A_65 : vector<128x64xf32>
    %slice3A_67 = vector.extract_strided_slice %select_n3A_42 {offsets = [1664, 0], sizes = [128, 64], strides = [1, 1]} : vector<2048x64xf32> to vector<128x64xf32>
    %max3A_68 = arith.maximumf %max3A_66, %slice3A_67 : vector<128x64xf32>
    %slice3A_69 = vector.extract_strided_slice %select_n3A_42 {offsets = [1792, 0], sizes = [128, 64], strides = [1, 1]} : vector<2048x64xf32> to vector<128x64xf32>
    %max3A_70 = arith.maximumf %max3A_68, %slice3A_69 : vector<128x64xf32>
    %slice3A_71 = vector.extract_strided_slice %select_n3A_42 {offsets = [1920, 0], sizes = [128, 64], strides = [1, 1]} : vector<2048x64xf32> to vector<128x64xf32>
    %max3A_72 = arith.maximumf %max3A_70, %slice3A_71 : vector<128x64xf32>
    %swap3A = arith.constant 0 : index
    %swap3A_73 = arith.constant 0 : index
    %swap3A_74 = arith.constant 0 : index
    %swap3A_75 = vector.load %arg8[%swap3A, %swap3A_73, %swap3A_74] : memref<1x128x64xf32, #tpu.memory_space<vmem>>, vector<1x128x64xf32>
    %swap3A_76 = vector.shape_cast %swap3A_75 : vector<1x128x64xf32> to vector<128x64xf32>
    %swap3A_77 = vector.shape_cast %max3A_72 : vector<128x64xf32> to vector<1x128x64xf32>
    tpu.vector_store %arg8[%swap3A, %swap3A_73, %swap3A_74], %swap3A_77 {strides = array<i32>} : memref<1x128x64xf32, #tpu.memory_space<vmem>>, vector<1x128x64xf32>,
    return
  }
  func.func @transform_0(%arg0: i32, %arg1: i32) -> (i32, i32, i32, i32) {
    %c0_i32 = arith.constant 0 : i32
    %c0_i32_0 = arith.constant 0 : i32
    %c0_i32_1 = arith.constant 0 : i32
    return %arg0, %arg1, %c0_i32, %c0_i32_0 : i32, i32, i32, i32
  }
  func.func @transform_1(%arg0: i32, %arg1: i32) -> (i32, i32, i32) {
    %c0_i32 = arith.constant 0 : i32
    %c0_i32_0 = arith.constant 0 : i32
    return %arg0, %arg1, %c0_i32 : i32, i32, i32
  }
  func.func @transform_2(%arg0: i32, %arg1: i32) -> (i32, i32) {
    %c0_i32 = arith.constant 0 : i32
    %c0_i32_0 = arith.constant 0 : i32
    %c0_i32_1 = arith.constant 0 : i32
    return %c0_i32, %c0_i32_0 : i32, i32
  }
  func.func @transform_3(%arg0: i32, %arg1: i32) -> (i32, i32) {
    %c0_i32 = arith.constant 0 : i32
    %c0_i32_0 = arith.constant 0 : i32
    %c0_i32_1 = arith.constant 0 : i32
    return %c0_i32, %c0_i32_0 : i32, i32
  }
  func.func @transform_4(%arg0: i32, %arg1: i32) -> (i32, i32) {
    %c0_i32 = arith.constant 0 : i32
    %c0_i32_0 = arith.constant 0 : i32
    %c0_i32_1 = arith.constant 0 : i32
    return %c0_i32, %c0_i32_0 : i32, i32
  }
  func.func @transform_5(%arg0: i32, %arg1: i32) -> (i32, i32) {
    %c0_i32 = arith.constant 0 : i32
    %c0_i32_0 = arith.constant 0 : i32
    %c0_i32_1 = arith.constant 0 : i32
    return %c0_i32, %c0_i32_0 : i32, i32
  }
  func.func @transform_6(%arg0: i32, %arg1: i32) -> (i32, i32, i32) {
    %c0_i32 = arith.constant 0 : i32
    %c0_i32_0 = arith.constant 0 : i32
    return %arg0, %arg1, %c0_i32 : i32, i32, i32
  }
}

</mosaic_0001>

<sc_bundles>
// kernel: kernel.6.cloned.1.call-start
scs
__scs_entry_jumppad:
0x0: {  	(pc) =	sbr.rel $0x88, $3  }
0x1: {  	(tag) =	ssettag $0x0;
	lr =	simm.s32 $0x1  }
0x2: {  	[smem:$0x3F9C] =	sst lr;
	_ =	strace $0xD0000000  }
0x3: {  	_ = 	snop  }
0x4: {  	_ = 	snop  }
0x5: {  	_ = 	snop  }
0x6: {  	_ = 	snop  }
0x7: {  	_ = 	snop  }
__scs_overlays_trampoline_lowered:
0x8: {  	[smem:$0x3FAB] =	sst s0  }
0x9: {  	[smem:$0x3FAC] =	sst s1  }
0xa: {  	[smem:$0x3FAD] =	sst s2  }
0xb: {  	[smem:$0x3FAE] =	sst s3  }
0xc: {  	[smem:$0x3FAF] =	sst s4  }
0xd: {  	[smem:$0x3FB0] =	sst s5  }
0xe: {  	[smem:$0x3FB1] =	sst s6  }
0xf: {  	[smem:$0x3FB2] =	sst s7  }
0x10: {  	[smem:$0x3FB3] =	sst s8  }
0x11: {  	[smem:$0x3FB4] =	sst s9;
	s0 =	simm.s32 @!p0 $0x0  }
0x12: {  	s1 =	sld [smem:$0x3F9A];
	s0 =	simm.s32 @p0 $0x1  }
0x13: {  	[smem:$0x3FB5] =	sst s0;
	s0 =	simm.s32 @!p1 $0x0  }
0x14: {  	s2 =	sld [smem:$0x3F99];
	s0 =	simm.s32 @p1 $0x1  }
0x15: {  	[smem:$0x3FB6] =	sst s0;
	s0 =	simm.s32 @!p2 $0x0  }
0x16: {  	s3 =	sld [smem:$0x3FDB];
	s0 =	simm.s32 @p2 $0x1  }
0x17: {  	s4 =	simm.s32 $0x1BF5;
	[smem:$0x3FB8] =	sst s0  }
0x18: {  	s0 =	sld [smem:$0x3F9B];
	_ =	swait.ge [sflag:s4], $0x0  }
0x19: {  	s7 =	sld [smem:$0x3F9C]  }
0x1a: {  	s8 =	sadd.s32 $0xFFFFE003, lr  }
0x1b: {  	s9 =	sadd.s32 $0xFFFFFEF7, lr;
	s5 =	simm.s32 $0xFFFFFFFF;
	p2 =	slt.u32 s8, $0xFFFFF086  }
0x1c: {  	p1 =	slt.u32 s9, $0xF7A;
	s5 =	simm.s32 @!p2 $0x0  }
0x1d: {  	s5 =	simm.s32 @p1 $0x1;
	p0 =	seq.s32 s7, s2  }
0x1e: {  	s7 =	smul.u32 @!p0 $0xF7A, s2;
	p2 =	seq.s32 @!p0 s5, $0x0  }
0x1f: {  	s9 =	smul.u32 $0xF7A, s1;
	s8 =	simm.s32 @!p0 $0x1BF5;
	p2 =	por !p2, p0  }
0x20: {  	[sflag:s8] =	ssyncset.s32 @!p0 $0xFFFFF086;
	s6 =	sadd.s32 @!p0 s3, s7;
	s7 =	simm.s32 @!p0 $0x108  }
0x21: {  	s3 =	sadd.s32 s3, s9;
	s6 =	sadd.s32 @!p0 $0x88, s6;
	s7 =	simm.s32 @p2 $0x1082  }
0x22: {  	[simem:s7], [sflag:s8] =	dma.local @!p0 [hbm:s6], $0xF7A  }
0x23: {  	s9 =	sor.u32 $0xD0000000, s2;
	s6 =	simm.s32 $0x108;
	_ =	swait.ge @!p0 [sflag:s8], $0x0  }
0x24: {  	s3 =	sadd.s32 $0x88, s3;
	s6 =	simm.s32 @!p1 $0x1082;
	[sflag:s4] =	ssyncset.s32 $0xFFFFF086  }
0x25: {  	[simem:s6], [sflag:s4] =	dma.local [hbm:s3], $0xF7A  }
0x26: {  	[smem:$0x3F9C] =	sst s1;
	(tag) =	ssettag s2;
	_ =	strace s9  }
0x27: {  	s1 =	sld [smem:$0x3FAC]  }
0x28: {  	s2 =	sld [smem:$0x3FAD]  }
0x29: {  	s4 =	sld [smem:$0x3FAF]  }
0x2a: {  	p0 =	seq.s32 s5, $0x0;
	s5 =	sld [smem:$0x3FB0]  }
0x2b: {  	s6 =	sld [smem:$0x3FB1]  }
0x2c: {  	s7 =	sld [smem:$0x3FB2]  }
0x2d: {  	s3 =	simm.s32 $0x108;
	s8 =	sld [smem:$0x3FB3]  }
0x2e: {  	s3 =	simm.s32 @!p0 $0x1082;
	s9 =	sld [smem:$0x3FB4]  }
0x2f: {  	lr =	sadd.s32 s0, s3;
	s0 =	sld [smem:$0x3FAB]  }
0x30: {  	s3 =	sld [smem:$0x3FAE]  }
0x31: {  	[smem:$0x3FB7] =	sst s10  }
0x32: {  	s10 =	sld [smem:$0x3FB5];
	_ =	sdelay $0x3  }
0x33: {  	p0 =	seq.s32 s10, $0x1;
	s10 =	sld [smem:$0x3FB7];
	_ =	sdelay $0x3  }
0x34: {  	[smem:$0x3FB7] =	sst s10  }
0x35: {  	s10 =	sld [smem:$0x3FB6];
	_ =	sdelay $0x3  }
0x36: {  	p1 =	seq.s32 s10, $0x1;
	s10 =	sld [smem:$0x3FB7];
	_ =	sdelay $0x3  }
0x37: {  	[smem:$0x3FB7] =	sst s10  }
0x38: {  	s10 =	sld [smem:$0x3FB8]  }
0x39: {  	_ = 	snop;
	(pc) =	sbr.ind lr, $3  }
0x3a: {  	_ = 	snop  }
0x3b: {  	_ = 	snop  }
0x3c: {  	p2 =	seq.s32 s10, $0x1;
	s10 =	sld [smem:$0x3FB7]  }
0x3d: {  	_ =	shalt  }
0x3e: {  	_ =	shalt  }
0x3f: {  	_ =	shalt  }
0x40: {  	_ =	shalt  }
0x41: {  	_ =	shalt  }
0x42: {  	_ =	shalt  }
0x43: {  	_ =	shalt  }
0x44: {  	_ =	shalt  }
0x45: {  	_ =	shalt  }
0x46: {  	_ =	shalt  }
0x47: {  	_ =	shalt  }
0x48: {  	_ =	shalt  }
0x49: {  	_ =	shalt  }
0x4a: {  	_ =	shalt  }
0x4b: {  	_ =	shalt  }
0x4c: {  	_ =	shalt  }
0x4d: {  	_ =	shalt  }
0x4e: {  	_ =	shalt  }
0x4f: {  	_ =	shalt  }
0x50: {  	_ =	shalt  }
0x51: {  	_ =	shalt  }
0x52: {  	_ =	shalt  }
0x53: {  	_ =	shalt  }
0x54: {  	_ =	shalt  }
0x55: {  	_ =	shalt  }
0x56: {  	_ =	shalt  }
0x57: {  	_ =	shalt  }
0x58: {  	_ =	shalt  }
0x59: {  	_ =	shalt  }
0x5a: {  	_ =	shalt  }
0x5b: {  	_ =	shalt  }
0x5c: {  	_ =	shalt  }
0x5d: {  	_ =	shalt  }
0x5e: {  	_ =	shalt  }
0x5f: {  	_ =	shalt  }
0x60: {  	_ =	shalt  }
0x61: {  	_ =	shalt  }
0x62: {  	_ =	shalt  }
0x63: {  	_ =	shalt  }
0x64: {  	_ =	shalt  }
0x65: {  	_ =	shalt  }
0x66: {  	_ =	shalt  }
0x67: {  	_ =	shalt  }
0x68: {  	_ =	shalt  }
0x69: {  	_ =	shalt  }
0x6a: {  	_ =	shalt  }
0x6b: {  	_ =	shalt  }
0x6c: {  	_ =	shalt  }
0x6d: {  	_ =	shalt  }
0x6e: {  	_ =	shalt  }
0x6f: {  	_ =	shalt  }
0x70: {  	_ =	shalt  }
0x71: {  	_ =	shalt  }
0x72: {  	_ =	shalt  }
0x73: {  	_ =	shalt  }
0x74: {  	_ =	shalt  }
0x75: {  	_ =	shalt  }
0x76: {  	_ =	shalt  }
0x77: {  	_ =	shalt  }
0x78: {  	_ =	shalt  }
0x79: {  	_ =	shalt  }
0x7a: {  	_ =	shalt  }
0x7b: {  	_ =	shalt  }
0x7c: {  	_ =	shalt  }
0x7d: {  	_ =	shalt  }
0x7e: {  	_ =	shalt  }
0x7f: {  	_ =	shalt  }
0x80: {  	_ =	shalt  }
0x81: {  	_ =	shalt  }
0x82: {  	_ =	shalt  }
0x83: {  	_ =	shalt  }
0x84: {  	_ =	shalt  }
0x85: {  	_ =	shalt  }
0x86: {  	_ =	shalt  }
0x87: {  	_ =	shalt  }
.Lfunc_end0:
.L_simem_size_0:
called_computation_lowered:
.L_overlay_start_0:
0x88: {  	s2 =	sld [smem:$0x3FD9]  }
0x89: {  	s3 =	sld [smem:$0x3FFE];
	_ =	sdelay $0x1  }
0x8a: {  	s1 =	srdreg.scid  }
0x8b: {  	s0 =	sand.u32 $0x1, s1  }
0x8c: {  	s14 =	sshll.u32 s0, $0xA;
	s2 =	sadd.s32 s3, s2  }
0x8d: {  	s2 =	sadd.s32 s2, s14  }
0x8e: {  	[smem:$0x3FC3] =	sst s2  }
0x8f: {  	_ = 	snop  }
0x90: {  	s2 =	sld [smem:$0x3FD0];
	_ =	sdelay $0x2  }
0x91: {  	s15 =	simm.s32 $0xA;
	s4 =	simm.s32 $0x10  }
0x92: {  	[smem:s4], [sflag:s15] =	dma.local [hbm:s2], $0x1  }
0x93: {  	_ =	swait.eq [sflag:s15], $0x1  }
0x94: {  	[sflag:s15] =	ssyncset.done $0x0  }
0x95: {  	[sflag:s15] =	ssyncadd.s32 $0xFFFFFFFF  }
0x96: {  	s16 =	sld [smem:$0x10];
	(tm) =	ssettm $0x1  }
0x97: {  	s17 =	sld [smem:$0x3FFB];
	_ =	sdelay $0x3  }
0x98: {  	_ =	strace s17  }
0x99: {  	s3 =	sld [smem:$0x3FFC];
	_ =	sdelay $0x3  }
0x9a: {  	_ =	strace s3  }
0x9b: {  	s3 =	sld [smem:$0x3FFD];
	_ =	sdelay $0x3  }
0x9c: {  	_ =	strace s3  }
0x9d: {  	_ =	strace $0x8FFFFFFF  }
0x9e: {  	s18 =	sld [smem:$0x3FDB];
	_ =	sdelay $0x1  }
0x9f: {  	s19 =	simm.s32 $_scs_section_size  }
0xa0: {  	s5 =	simm.s32 $_size__tile_overlayer_lowered;
	s6 =	simm.s32 $_tile_overlayer_lowered  }
0xa1: {  	s22 =	simm.s32 $0x1BFF;
	s21 =	sshll.u32 s6, $0x1;
	s3 =	sadd.s32 s19, s18  }
0xa2: {  	s7 =	simm.s32 $0x0;
	s20 =	sshll.u32 s5, $0x1;
	s5 =	sadd.s32 s21, s3  }
0xa3: {  	[timem:s7], [sflag:s22] =	dma.local [hbm:s5], s20  }
0xa4: {  	_ =	swait.ge [sflag:s22], s20  }
0xa5: {  	s4 =	ssub.s32 $0x0, s20;
	[sflag:s22] =	ssyncset.done $0x0  }
0xa6: {  	[sflag:s22] =	ssyncadd.s32 s4;
	_ =	sdelay $0x1  }
0xa7: {  	s23 =	simm.s32 $0x1B8B  }
0xa8: {  	_ =	swait.ge [sflag:s23], $0x1  }
0xa9: {  	[sflag:s23] =	ssyncset.done $0x0  }
0xaa: {  	s25 =	simm.s32 $0x1B8E;
	s24 =	sld [smem:$0x3FFE];
	[sflag:s23] =	ssyncadd.s32 $0xFFFFFFFF  }
0xab: {  	s26 =	simm.s32 $execute0_lowered;
	[smem:$0x3FD2] =	sst s25  }
0xac: {  	s5 =	sshll.u32 s26, $0x1;
	_ =	strace $0x80000046;
	[dreg:$0x1] =	wrdreg $0xFFFFFFFF  }
0xad: {  	s28 =	simm.s32 $_size_execute0_lowered;
	s3 =	sadd.s32 s3, s5;
	[dreg:$0x0] =	wrdreg $0x0  }
0xae: {  	s5 =	sshll.u32 s28, $0x1;
	[dreg:$0x2] =	wrdreg s3  }
0xaf: {  	[dreg:$0x3] =	wrdreg s5  }
0xb0: {  	[dreg:$0x4] =	wrdreg $0xC0  }
0xb1: {  	_ =	task [dreg:s7], $0x5FFFF  }
0xb2: {  	[dreg:$0x1] =	wrdreg $0xFFFFFFFF  }
0xb3: {  	[dreg:$0x0] =	wrdreg $0x60  }
0xb4: {  	[dreg:$0x2] =	wrdreg s24  }
0xb5: {  	[dreg:$0x3] =	wrdreg s16  }
0xb6: {  	[dreg:$0x4] =	wrdreg $0x9  }
0xb7: {  	_ =	task.clear_ibuf [dreg:s7], $0x5FFFF;
	_ =	strace $0x90000046  }
0xb8: {  	s29 =	simm.s32 $0x9;
	_ =	strace $0x80000048  }
0xb9: {  	_ =	swait.ge [sflag:s29], $0x1  }
0xba: {  	[sflag:s29] =	ssyncadd.s32 $0xFFFFFFFF  }
0xbb: {  	_ =	strace $0x90000048  }
0xbc: {  	_ =	sfence  }
0xbd: {  	s30 =	sld [smem:$0x0];
	_ =	sdelay $0x2  }
0xbe: {  	s31 =	sshll.u32 s1, $0xD;
	s1 =	sshrl.u32 s1, $0x2  }
0xbf: {  	s3 =	sand.u32 $0x4000, s31;
	s1 =	sadd.s32 s1, s30  }
0xc0: {  	s0 =	sor.u32 s3, s0;
	s1 =	sshll.u32 s1, $0x11  }
0xc1: {  	s0 =	sor.u32 s1, s0  }
0xc2: {  	s0 =	sadd.s32 $0x8F2B, s0  }
0xc3: {  	[sflag:s0] =	ssyncadd.remote.s32 $0x1  }
0xc4: {  	_ =	sfence.sel $0xFFFF  }
0xc5: {  	[dreg:$0x0] =	wrdreg $0xFFFFFFFF;
	(pc) =	sbr.abs _section_cstart, $3  }
0xc6: {  	[dreg:$0x1] =	wrdreg $0xFFFFFFFF  }
0xc7: {  	_ =	task.clear_ibuf [dreg:s7], $0x2FFFF;
	_ =	strace $0x9FFFFFFF  }
0xc8: {  	(tm) =	ssettm $0x7FFFFFFF  }
0xc9: {  	_ =	shalt  }
tec
execute0_lowered:
.L_overlay_start_1:
0x0: {  	(tag) =	ssettag $0x1  }
0x1: {  	s1 =	srdreg.scid  }
0x2: {  	s8 =	rddreg [dreg:$0x0];
	s0 =	stileid.u32;
	s10 =	sand.u32 $0x1, s1  }
0x3: {  	s9 =	rddreg [dreg:$0x1];
	s3 =	sshll.u32 s0, $0xC;
	s4 =	sshll.u32 s10, $0xB  }
0x4: {  	s2 =	simm.s32 $0x0;
	s1 =	rddreg [dreg:$0x2];
	s11 =	sor.u32 s4, s3  }
0x5: {  	[smem:$0x7FF] =	sst s2;
	s3 =	sshrl.u32 s11, $0x3  }
0x6: {  	_ =	strace $0x80000047;
	s4 =	sadd.s32 s9, s3;
	s3 =	simm.s32 $0x2  }
0x7: {  	[tilespmem:s2], [sflag:$0x2] =	stream.linear.gather [hbm4b:s4+s2], $0x400, $0x38;
	[tilespmem:$0x10400] =	vst v63  }
0x8: {  	_ =	swait.ge [sflag:s3], $0x400  }
0x9: {  	s6 =	simm.s32 $0x400;
	[sflag:s3] =	ssyncset.done $0x0  }
0xa: {  	s7 =	simm.s32 $0x1;
	s5 =	sadd.s32 $0x2000, s8;
	[sflag:s3] =	ssyncadd.s32 $0xFFFFFC00  }
0xb: {  	[tilespmem:s6], [sflag:$0x1] =	stream.indirect.gather [hbm4b:s5+s6], $0x40, s2, s6, $0xb8;
	[tilespmem:$0x10400] =	vst v63  }
0xc: {  	_ =	swait.ge [sflag:s7], $0x10000  }
0xd: {  	s12 =	sadd.s32 $0x42000, s8;
	s28 =	sshll.u32 s11, $0x3;
	[sflag:s7] =	ssyncset.done $0x0  }
0xe: {  	s8 =	sadd.s32 s12, s28;
	[sflag:s7] =	ssyncadd.s32 $0xFFFF0000  }
0xf: {  	[hbm4b:s8+s2] =	stream.linear.scatter [tilespmem:s6], [sflag:$0x2], $0x10000, $0x38;
	[tilespmem:$0x10400] =	vst v63  }
0x10: {  	s11 =	sor.u32 $0x400, s11;
	_ =	swait.ge [sflag:s3], $0x10000  }
0x11: {  	s13 =	sshrl.u32 s11, $0x3;
	[sflag:s3] =	ssyncset.done $0x0  }
0x12: {  	s10 =	ssub.s32 $0x2, s10;
	s9 =	sadd.s32 s9, s13;
	[sflag:s3] =	ssyncadd.s32 $0xFFFF0000  }
0x13: {  	[tilespmem:s2], [sflag:$0x2] =	stream.linear.gather [hbm4b:s9+s2], $0x400, $0x38;
	[tilespmem:$0x10400] =	vst v63  }
0x14: {  	s29 =	sshrl.u32 s10, $0x1;
	_ =	swait.ge [sflag:s3], $0x400  }
0x15: {  	s13 =	ssub.s32 s10, s29;
	[sflag:s3] =	ssyncset.done $0x0  }
0x16: {  	s31 =	smax.u32 s13, $0x1;
	[sflag:s3] =	ssyncadd.s32 $0xFFFFFC00  }
0x17: {  	[tilespmem:s6], [sflag:$0x1] =	stream.indirect.gather [hbm4b:s5+s6], $0x40, s2, s6, $0xb8;
	[tilespmem:$0x10400] =	vst v63  }
0x18: {  	p0 =	sne.s32 s31, $0x1;
	_ =	swait.ge [sflag:s7], $0x10000  }
.Ltmp0:
0x19: {  	s30 =	sshll.u32 s11, $0x3;
	[sflag:s7] =	ssyncset.done $0x0;
	(pc) =	sbr.rel @!p0 .LBB2_2-.Ltmp0, $4  }
0x1a: {  	s10 =	sadd.s32 s12, s30;
	[sflag:s7] =	ssyncadd.s32 $0xFFFF0000  }
0x1b: {  	[hbm4b:s10+s2] =	stream.linear.scatter [tilespmem:s6], [sflag:$0x2], $0x10000, $0x38;
	[tilespmem:$0x10400] =	vst v63  }
0x1c: {  	_ =	swait.ge [sflag:s3], $0x10000  }
0x1d: {  	s11 =	sadd.s32 $0xFFFFFFFF, s31;
	[sflag:s3] =	ssyncset.done $0x0  }
.LBB2_1:
0x1e: {  	p0 =	sne.s32 s11, $0x1;
	s11 =	sadd.s32 $0xFFFFFFFF, s11;
	[sflag:s3] =	ssyncadd.s32 $0xFFFF0000  }
0x1f: {  	[tilespmem:s2], [sflag:$0x2] =	stream.linear.gather [hbm4b:s4+s2], $0x400, $0x38;
	[tilespmem:$0x10400] =	vst v63  }
0x20: {  	_ =	swait.ge [sflag:s3], $0x400  }
0x21: {  	[sflag:s3] =	ssyncset.done $0x0  }
0x22: {  	[sflag:s3] =	ssyncadd.s32 $0xFFFFFC00  }
0x23: {  	[tilespmem:s6], [sflag:$0x1] =	stream.indirect.gather [hbm4b:s5+s6], $0x40, s2, s6, $0xb8;
	[tilespmem:$0x10400] =	vst v63  }
0x24: {  	_ =	swait.ge [sflag:s7], $0x10000  }
0x25: {  	[sflag:s7] =	ssyncset.done $0x0  }
0x26: {  	[sflag:s7] =	ssyncadd.s32 $0xFFFF0000  }
0x27: {  	[hbm4b:s8+s2] =	stream.linear.scatter [tilespmem:s6], [sflag:$0x2], $0x10000, $0x38;
	[tilespmem:$0x10400] =	vst v63  }
0x28: {  	_ =	swait.ge [sflag:s3], $0x10000  }
0x29: {  	[sflag:s3] =	ssyncset.done $0x0  }
0x2a: {  	[sflag:s3] =	ssyncadd.s32 $0xFFFF0000  }
0x2b: {  	[tilespmem:s2], [sflag:$0x2] =	stream.linear.gather [hbm4b:s9+s2], $0x400, $0x38;
	[tilespmem:$0x10400] =	vst v63  }
0x2c: {  	_ =	swait.ge [sflag:s3], $0x400  }
0x2d: {  	[sflag:s3] =	ssyncset.done $0x0  }
0x2e: {  	[sflag:s3] =	ssyncadd.s32 $0xFFFFFC00  }
0x2f: {  	[tilespmem:s6], [sflag:$0x1] =	stream.indirect.gather [hbm4b:s5+s6], $0x40, s2, s6, $0xb8;
	[tilespmem:$0x10400] =	vst v63  }
0x30: {  	_ =	swait.ge [sflag:s7], $0x10000  }
.Ltmp1:
0x31: {  	[sflag:s7] =	ssyncset.done $0x0;
	(pc) =	sbr.rel @p0 .LBB2_1-.Ltmp1, $4  }
0x32: {  	[sflag:s7] =	ssyncadd.s32 $0xFFFF0000  }
0x33: {  	[hbm4b:s10+s2] =	stream.linear.scatter [tilespmem:s6], [sflag:$0x2], $0x10000, $0x38;
	[tilespmem:$0x10400] =	vst v63  }
0x34: {  	_ =	swait.ge [sflag:s3], $0x10000  }
0x35: {  	[sflag:s3] =	ssyncset.done $0x0  }
.LBB2_2:
0x36: {  	[sflag:s3] =	ssyncadd.s32 $0xFFFF0000  }
0x37: {  	_ =	sfence.sel $0x180000  }
0x38: {  	[bflag:$0x0] =	sbarrier.arrive $0xFFFF  }
0x39: {  	p0 =	sne.s32 s0, $0x0;
	_ =	strace $0x90000047  }
0x3a: {  	s0 =	sadd.s32 @!p0 $0x100000, s1;
	[bflag:$0x2] =	sbarrier.arrive $0xFFFF  }
0x3b: {  	[sflag:s0] =	ssyncadd.tile.s32 @!p0 $0x1;
	_ =	shalt  }
.Lfunc_end2:
_tile_overlayer_lowered:
.L_overlay_start_2:
0x3c: {  	(tag) =	ssettag $0x2  }
0x3d: {  	s0 =	rddreg [dreg:$0x0];
	s2 =	stileid.u32  }
0x3e: {  	s1 =	rddreg [dreg:$0x1];
	p0 =	sne.s32 s2, $0x0  }
0x3f: {  	s3 =	rddreg [dreg:$0x2];
	[bflag:$0x3] =	sbarrier.arrive $0xFFFF;
	s2 =	simm.s32 @!p0 $0x1C02  }
0x40: {  	[timem:s3], [sflag:s2] =	dma.local @!p0 [hbm:s0], s1  }
0x41: {  	s0 =	simm.s32 @!p0 $0x2  }
0x42: {  	_ =	swait.ge @!p0 [sflag:s0], s1  }
0x43: {  	s1 =	ssub.s32 @!p0 $0x0, s1;
	[sflag:s0] =	ssyncset.done @!p0 $0x0  }
0x44: {  	[sflag:s0] =	ssyncadd.s32 @!p0 s1  }
0x45: {  	[bflag:$0x3] =	sbarrier.arrive $0xFFFF  }
0x46: {  	_ =	shalt  }

</sc_bundles>
